<compile_context>
chip_gen: v7x
topology: tpu7x:2x2x1
jax: 0.10.2.dev20260603
libtpu: 0.0.44.dev20260713+nightly
codegen_flags: <defaults>
</compile_context>

<pallas_src>
import jax
import jax.numpy as jnp
from jax import lax
from jax.experimental import pallas as pl
from jax.experimental.pallas import tpu as pltpu
from jax.experimental.pallas import tpu_sc as plsc

N_NODES = 10000
N_EDGES = 320000
EMB = 128
NCORES = 2
NSUB = 16
NW = NCORES * NSUB
EPW = N_EDGES // NW
CHUNK = 80
NCHUNK = EPW // CHUNK
PAIRS = NCHUNK // 2
CT = 64
NPAD = 10112
ROWS_PER_TILE = NPAD // NSUB
LANES = 16
SL = EMB // LANES


def _sc_body(h_hbm, comb_hbm, ct_hbm, z_hbm, out_hbm,
             comb_a, comb_b, bufh_a, bufh_b, bufe_a, bufe_b, dstb_a, dstb_b,
             ct_sp, aggr_sp,
             ic_a, ic_b, gh_a, gh_b, ge_a, ge_b, sc_a, sc_b):
    cid = lax.axis_index("c")
    sid = lax.axis_index("s")
    wid = cid * NSUB + sid

    r0 = sid * ROWS_PER_TILE
    pltpu.sync_copy(z_hbm.at[pl.ds(r0, ROWS_PER_TILE)],
                    aggr_sp.at[pl.ds(r0, ROWS_PER_TILE)])

    @pl.when(sid == 0)
    def _():
        pltpu.sync_copy(ct_hbm, ct_sp)

    plsc.subcore_barrier()

    rbase = wid * NCHUNK

    def i_start(i, cb, sem):
        pltpu.async_copy(comb_hbm.at[rbase + i], cb, sem)

    def g_start(cb, bh, be, isem, hsem, esem):
        pltpu.make_async_copy(comb_hbm.at[0], cb, isem).wait()
        pltpu.async_copy(h_hbm.at[cb.at[0]], bh, hsem)
        pltpu.async_copy(ct_hbm.at[cb.at[1]], be, esem)

    def g_wait(bh, be, hsem, esem):
        pltpu.make_async_copy(h_hbm.at[pl.ds(0, CHUNK)], bh, hsem).wait()
        pltpu.make_async_copy(ct_hbm.at[pl.ds(0, CHUNK)], be, esem).wait()

    def s_start(cb, db, bh, sem):
        for t in range(CHUNK // LANES):
            sl = pl.ds(t * LANES, LANES)
            db[sl] = cb[2, sl]
        pltpu.async_copy(bh, aggr_sp.at[db], sem, add=True)

    def s_wait(bh, sem):
        pltpu.make_async_copy(bh, aggr_sp.at[dstb_a], sem).wait()

    def compute(bh, be):
        @plsc.parallel_loop(0, CHUNK, 1, unroll=4)
        def _(j):
            for s in range(SL):
                sl = pl.ds(s * LANES, LANES)
                bh[j, sl] = jnp.maximum(bh[j, sl] + be[j, sl], 0.0)

    i_start(0, comb_a, ic_a)
    i_start(1, comb_b, ic_b)
    g_start(comb_a, bufh_a, bufe_a, ic_a, gh_a, ge_a)

    def step(k, carry):
        i0 = 2 * k
        i1 = i0 + 1
        last = k == PAIRS - 1

        @pl.when(k > 0)
        def _():
            s_wait(bufh_b, sc_b)

        g_start(comb_b, bufh_b, bufe_b, ic_b, gh_b, ge_b)
        g_wait(bufh_a, bufe_a, gh_a, ge_a)
        compute(bufh_a, bufe_a)
        s_start(comb_a, dstb_a, bufh_a, sc_a)
        i_start(i0 + 2, comb_a, ic_a)
        g_wait(bufh_b, bufe_b, gh_b, ge_b)
        s_wait(bufh_a, sc_a)
        g_start(comb_a, bufh_a, bufe_a, ic_a, gh_a, ge_a)
        compute(bufh_b, bufe_b)
        s_start(comb_b, dstb_b, bufh_b, sc_b)

        @pl.when(jnp.logical_not(last))
        def _():
            i_start(i1 + 2, comb_b, ic_b)

        return carry

    lax.fori_loop(0, PAIRS, step, 0)

    s_wait(bufh_b, sc_b)
    g_wait(bufh_a, bufe_a, gh_a, ge_a)
    compute(bufh_a, bufe_a)
    s_start(comb_a, dstb_a, bufh_a, sc_a)
    s_wait(bufh_a, sc_a)

    plsc.subcore_barrier()
    pltpu.sync_copy(aggr_sp.at[pl.ds(r0, ROWS_PER_TILE)],
                    out_hbm.at[cid, pl.ds(r0, ROWS_PER_TILE)])


def _sc_aggregate(h, comb, ctable, zeros):
    mesh = plsc.VectorSubcoreMesh(core_axis_name="c", subcore_axis_name="s")
    return pl.kernel(
        _sc_body,
        out_type=jax.ShapeDtypeStruct((NCORES, NPAD, EMB), jnp.float32),
        mesh=mesh,
        scratch_types=[
            pltpu.VMEM((3, CHUNK), jnp.int32),
            pltpu.VMEM((3, CHUNK), jnp.int32),
            pltpu.VMEM((CHUNK, EMB), jnp.float32),
            pltpu.VMEM((CHUNK, EMB), jnp.float32),
            pltpu.VMEM((CHUNK, EMB), jnp.float32),
            pltpu.VMEM((CHUNK, EMB), jnp.float32),
            pltpu.VMEM((CHUNK,), jnp.int32),
            pltpu.VMEM((CHUNK,), jnp.int32),
            pltpu.VMEM_SHARED((CT, EMB), jnp.float32),
            pltpu.VMEM_SHARED((NPAD, EMB), jnp.float32),
            pltpu.SemaphoreType.DMA,
            pltpu.SemaphoreType.DMA,
            pltpu.SemaphoreType.DMA,
            pltpu.SemaphoreType.DMA,
            pltpu.SemaphoreType.DMA,
            pltpu.SemaphoreType.DMA,
            pltpu.SemaphoreType.DMA,
            pltpu.SemaphoreType.DMA,
        ],
    )(h, comb, ctable, zeros)


def _ct_body(be_ref, o_ref):
    t0 = be_ref[0, :4]
    t1 = be_ref[1, :4]
    t2 = be_ref[2, :4]
    r0 = jnp.repeat(t0, 16, axis=0)
    r1 = jnp.tile(jnp.repeat(t1, 4, axis=0), (4, 1))
    r2 = jnp.tile(t2, (16, 1))
    o_ref[...] = r0 + r1 + r2


def _build_ctable(bond_emb):
    return pl.pallas_call(
        _ct_body,
        out_shape=jax.ShapeDtypeStruct((CT, EMB), jnp.float32),
    )(bond_emb)


def _mlp_body(h_ref, p_ref, w1_ref, b1_ref, g1_ref, be1_ref,
              w2_ref, b2_ref, g2_ref, be2_ref, s_ref, out_ref):
    h = h_ref[...]
    bb = s_ref[0, 0] * h + p_ref[0, :N_NODES, :] + p_ref[1, :N_NODES, :]
    y = lax.dot_general(bb, w1_ref[...], (((1,), (1,)), ((), ())),
                        preferred_element_type=jnp.float32)
    y = y + b1_ref[...]
    m = jnp.mean(y, axis=0, keepdims=True)
    v = jnp.mean((y - m) ** 2, axis=0, keepdims=True)
    y = (y - m) / jnp.sqrt(v + 1e-5) * g1_ref[...] + be1_ref[...]
    y = jnp.maximum(y, 0.0)
    z = lax.dot_general(y, w2_ref[...], (((1,), (1,)), ((), ())),
                        preferred_element_type=jnp.float32)
    z = z + b2_ref[...]
    m2 = jnp.mean(z, axis=0, keepdims=True)
    v2 = jnp.mean((z - m2) ** 2, axis=0, keepdims=True)
    z = (z - m2) / jnp.sqrt(v2 + 1e-5) * g2_ref[...] + be2_ref[...]
    z = jnp.where(s_ref[0, 1] != 0.0, jnp.maximum(z, 0.0), z)
    out_ref[...] = z


def _mlp(h, partials, W1, b1, g1, be1, W2, b2, g2, be2, scal):
    return pl.pallas_call(
        _mlp_body,
        out_shape=jax.ShapeDtypeStruct((N_NODES, EMB), jnp.float32),
    )(h, partials, W1, b1.reshape(1, -1), g1.reshape(1, -1),
      be1.reshape(1, -1), W2, b2.reshape(1, -1), g2.reshape(1, -1),
      be2.reshape(1, -1), scal)


def kernel(h, edge_index, edge_attr, bond_emb, W1, b1, g1, be1,
           W2, b2, g2, be2, eps_param, add_activation=True):
    src = edge_index[0].astype(jnp.int32)
    dst = edge_index[1].astype(jnp.int32)
    ea = edge_attr.astype(jnp.int32)
    cidx = ea[:, 0] * 16 + ea[:, 1] * 4 + ea[:, 2]

    comb = jnp.stack([src.reshape(NW * NCHUNK, CHUNK),
                      cidx.reshape(NW * NCHUNK, CHUNK),
                      dst.reshape(NW * NCHUNK, CHUNK)], axis=1)

    ctable = _build_ctable(bond_emb)
    zeros = jnp.zeros((NPAD, EMB), jnp.float32)
    partials = _sc_aggregate(h, comb, ctable, zeros)

    scal = jnp.stack([1.0 + eps_param,
                      jnp.asarray(add_activation, jnp.float32)]).reshape(1, 2)
    return _mlp(h, partials, W1, b1, g1, be1, W2, b2, g2, be2, scal)

# --- scband reference (transcript-rebuilt; emitter-appended) ---
"""Pipeline reference for scband-node-op-18150531793353 (READ-ONLY COPY).

The authoritative reference and input builder live on the scoring server;
editing this copy changes nothing except your own understanding.
"""

import jax, jax.numpy as jnp
import numpy as np

N_NODES = 10000
N_EDGES = 320000
EMB = 128


def _batchnorm(x, gamma, beta, eps=1e-5):
    m = jnp.mean(x, axis=0)
    v = jnp.var(x, axis=0)
    return (x - m) / jnp.sqrt(v + eps) * gamma + beta


def setup_inputs(seed: int = 0) -> dict:
    key = jax.random.key(seed)
    ks = jax.random.split(key, 8)
    h = jax.random.normal(ks[0], (N_NODES, EMB), dtype=jnp.float32)
    edge_index = jax.random.randint(ks[1], (2, N_EDGES), 0, N_NODES)
    edge_attr = jax.random.randint(ks[2], (N_EDGES, 3), 0, 4)
    # BondEncoder: one embedding table per bond feature (vocab 8 each)
    bond_emb = jax.random.normal(ks[3], (3, 8, EMB), dtype=jnp.float32) * 0.02
    W1 = jax.random.normal(ks[4], (2 * EMB, EMB), dtype=jnp.float32) * 0.05
    b1 = jnp.zeros((2 * EMB,), dtype=jnp.float32)
    g1 = jnp.ones((2 * EMB,), dtype=jnp.float32)
    be1 = jnp.zeros((2 * EMB,), dtype=jnp.float32)
    W2 = jax.random.normal(ks[5], (EMB, 2 * EMB), dtype=jnp.float32) * 0.05
    b2 = jnp.zeros((EMB,), dtype=jnp.float32)
    g2 = jnp.ones((EMB,), dtype=jnp.float32)
    be2 = jnp.zeros((EMB,), dtype=jnp.float32)
    eps_param = jnp.zeros((), dtype=jnp.float32)
    return {
        "h": h,
        "edge_index": edge_index,
        "edge_attr": edge_attr,
        "bond_emb": bond_emb,
        "W1": W1, "b1": b1, "g1": g1, "be1": be1,
        "W2": W2, "b2": b2, "g2": g2, "be2": be2,
        "eps_param": eps_param,
        "add_activation": True,
    }


def reference(h, edge_index, edge_attr, bond_emb, W1, b1, g1, be1, W2, b2, g2, be2, eps_param, add_activation=True):
    # Node_OP with input_nums=1, add_virtualnode=False, drop_path_p=0:
    # out = h; out = GIN_Triplet_unit(out, edge_index, edge_attr, add_activation)
    src = edge_index[0]
    dst = edge_index[1]
    # BondEncoder: sum of per-feature embedding lookups
    e = (jnp.take(bond_emb[0], edge_attr[:, 0], axis=0)
         + jnp.take(bond_emb[1], edge_attr[:, 1], axis=0)
         + jnp.take(bond_emb[2], edge_attr[:, 2], axis=0))
    # message: relu(x_j + edge_attr_emb); aggr='add' at dst nodes
    msg = jax.nn.relu(jnp.take(h, src, axis=0) + e)
    aggr = jax.ops.segment_sum(msg, dst, num_segments=h.shape[0])
    bb = (1.0 + eps_param) * h + aggr
    out = bb @ W1.T + b1
    out = _batchnorm(out, g1, be1)
    out = jax.nn.relu(out)
    out = out @ W2.T + b2
    # outer BatchNorm1d in GIN_Triplet_unit
    out = _batchnorm(out, g2, be2)
    out = jnp.where(add_activation, jax.nn.relu(out), out)
    # dropout with drop_ratio=0.0 -> identity
    return out

if __name__ == "__main__":
    import jax
    _d = setup_inputs()
    print(jax.jit(kernel)(*tuple(_d.values())))

</pallas_src>

<mosaic_0001>
#map = affine_map<(d0, d1) -> (0, 0)>
#map1 = affine_map<(d0, d1) -> (0, 0, 0)>
module attributes {stable_mosaic.version = 14 : i64} {
  func.func @_sc_body(%arg0: i32, %arg1: i32, %arg2: memref<10000x128xf32, #tpu.memory_space<hbm>>, %arg3: memref<4000x3x80xi32, #tpu.memory_space<hbm>>, %arg4: memref<64x128xf32, #tpu.memory_space<hbm>>, %arg5: memref<10112x128xf32, #tpu.memory_space<hbm>>, %arg6: memref<2x10112x128xf32, #tpu.memory_space<hbm>>, %arg7: memref<3x80xi32, #tpu.memory_space<vmem>>, %arg8: memref<3x80xi32, #tpu.memory_space<vmem>>, %arg9: memref<80x128xf32, #tpu.memory_space<vmem>>, %arg10: memref<80x128xf32, #tpu.memory_space<vmem>>, %arg11: memref<80x128xf32, #tpu.memory_space<vmem>>, %arg12: memref<80x128xf32, #tpu.memory_space<vmem>>, %arg13: memref<80xi32, #tpu.memory_space<vmem>>, %arg14: memref<80xi32, #tpu.memory_space<vmem>>, %arg15: memref<64x128xf32, #tpu.memory_space<vmem_shared>>, %arg16: memref<10112x128xf32, #tpu.memory_space<vmem_shared>>, %arg17: memref<!tpu.dma_semaphore, #tpu.memory_space<semaphore_mem>>, %arg18: memref<!tpu.dma_semaphore, #tpu.memory_space<semaphore_mem>>, %arg19: memref<!tpu.dma_semaphore, #tpu.memory_space<semaphore_mem>>, %arg20: memref<!tpu.dma_semaphore, #tpu.memory_space<semaphore_mem>>, %arg21: memref<!tpu.dma_semaphore, #tpu.memory_space<semaphore_mem>>, %arg22: memref<!tpu.dma_semaphore, #tpu.memory_space<semaphore_mem>>, %arg23: memref<!tpu.dma_semaphore, #tpu.memory_space<semaphore_mem>>, %arg24: memref<!tpu.dma_semaphore, #tpu.memory_space<semaphore_mem>>) attributes {dimension_semantics = [#tpu.dimension_semantics<core_parallel>, #tpu.dimension_semantics<subcore_parallel>], iteration_bounds = array<i64: 2, 16>, scalar_prefetch = 0 : i64, scratch_operands = 18 : i64, tpu.core_type = #tpu.core_type<sc_vector_subcore>, window_params = [{transform_indices = #map}, {transform_indices = #map1}, {transform_indices = #map}, {transform_indices = #map}, {transform_indices = #map1}]} {
    %mul3A = arith.constant 16 : i32
    %mul3A_0 = arith.muli %arg0, %mul3A : i32
    %add3A = arith.addi %mul3A_0, %arg1 : i32
    %mul3A_1 = arith.constant 632 : i32
    %mul3A_2 = arith.muli %arg1, %mul3A_1 : i32
    "tpu.region"() ({
      %run_scoped3A = tpu.sem_alloc : memref<!tpu.dma_semaphore, #tpu.memory_space<semaphore_mem>>
      %dma_start3A_120 = arith.constant 0 : i32
      %dma_start3A_121 = tpu.memref_slice %arg16[%mul3A_2, %dma_start3A_120] : memref<10112x128xf32, #tpu.memory_space<vmem_shared>> -> memref<632x128xf32, #tpu.memory_space<vmem_shared>>
      %dma_start3A_122 = arith.constant 0 : i32
      %dma_start3A_123 = tpu.memref_slice %arg5[%mul3A_2, %dma_start3A_122] : memref<10112x128xf32, #tpu.memory_space<hbm>> -> memref<632x128xf32, #tpu.memory_space<hbm>>
      tpu.enqueue_dma source(%dma_start3A_123 : memref<632x128xf32, #tpu.memory_space<hbm>>) target(%dma_start3A_121 : memref<632x128xf32, #tpu.memory_space<vmem_shared>>) target_semaphore(%run_scoped3A : memref<!tpu.dma_semaphore, #tpu.memory_space<semaphore_mem>>)
      %dma_wait3A_124 = arith.constant 0 : i32
      %dma_wait3A_125 = tpu.memref_slice %arg16[%mul3A_2, %dma_wait3A_124] : memref<10112x128xf32, #tpu.memory_space<vmem_shared>> -> memref<632x128xf32, #tpu.memory_space<vmem_shared>>
      %dma_wait3A_126 = arith.constant 0 : i32
      %dma_wait3A_127 = tpu.memref_slice %arg5[%mul3A_2, %dma_wait3A_126] : memref<10112x128xf32, #tpu.memory_space<hbm>> -> memref<632x128xf32, #tpu.memory_space<hbm>>
      tpu.wait_dma2 semaphore(%run_scoped3A : memref<!tpu.dma_semaphore, #tpu.memory_space<semaphore_mem>>) src(%dma_wait3A_127 : memref<632x128xf32, #tpu.memory_space<hbm>>) dst(%dma_wait3A_125 : memref<632x128xf32, #tpu.memory_space<vmem_shared>>)
      tpu.yield
    }) : () -> ()
    %eq3A = arith.constant 0 : i32
    %eq3A_3 = arith.cmpi eq, %arg1, %eq3A : i32
    %convert_element_type3A = arith.extui %eq3A_3 : i1 to i32
    %cond3A = arith.constant 0 : i32
    %cond3A_4 = arith.cmpi ne, %convert_element_type3A, %cond3A : i32
    scf.if %cond3A_4 {
      "tpu.region"() ({
        %run_scoped3A = tpu.sem_alloc : memref<!tpu.dma_semaphore, #tpu.memory_space<semaphore_mem>>
        tpu.enqueue_dma source(%arg4 : memref<64x128xf32, #tpu.memory_space<hbm>>) target(%arg15 : memref<64x128xf32, #tpu.memory_space<vmem_shared>>) target_semaphore(%run_scoped3A : memref<!tpu.dma_semaphore, #tpu.memory_space<semaphore_mem>>)
        tpu.wait_dma2 semaphore(%run_scoped3A : memref<!tpu.dma_semaphore, #tpu.memory_space<semaphore_mem>>) src(%arg4 : memref<64x128xf32, #tpu.memory_space<hbm>>) dst(%arg15 : memref<64x128xf32, #tpu.memory_space<vmem_shared>>)
        tpu.yield
      }) : () -> ()
    } else {
    }
    %barrier3A = arith.constant 0 : index
    tpu.barrier barrier_id(%barrier3A)
    %mul3A_5 = arith.constant 125 : i32
    %mul3A_6 = arith.muli %add3A, %mul3A_5 : i32
    %add3A_7 = arith.constant 0 : i32
    %add3A_8 = arith.addi %mul3A_6, %add3A_7 : i32
    %dma_start3A = arith.constant 0 : i32
    %dma_start3A_9 = arith.constant 0 : i32
    %dma_start3A_10 = tpu.memref_slice %arg3[%add3A_8, %dma_start3A, %dma_start3A_9] : memref<4000x3x80xi32, #tpu.memory_space<hbm>> -> memref<1x3x80xi32, #tpu.memory_space<hbm>>
    %dma_start3A_11 = tpu.memref_squeeze %dma_start3A_10 : memref<1x3x80xi32, #tpu.memory_space<hbm>> -> memref<3x80xi32, #tpu.memory_space<hbm>>
    %dma_start3A_12 = arith.constant 0 : i32
    %dma_start3A_13 = arith.constant 0 : i32
    %dma_start3A_14 = tpu.memref_slice %arg3[%add3A_8, %dma_start3A_12, %dma_start3A_13] : memref<4000x3x80xi32, #tpu.memory_space<hbm>> -> memref<1x3x80xi32, #tpu.memory_space<hbm>>
    %dma_start3A_15 = tpu.memref_squeeze %dma_start3A_14 : memref<1x3x80xi32, #tpu.memory_space<hbm>> -> memref<3x80xi32, #tpu.memory_space<hbm>>
    tpu.enqueue_dma source(%dma_start3A_15 : memref<3x80xi32, #tpu.memory_space<hbm>>) target(%arg7 : memref<3x80xi32, #tpu.memory_space<vmem>>) target_semaphore(%arg17 : memref<!tpu.dma_semaphore, #tpu.memory_space<semaphore_mem>>)
    %add3A_16 = arith.constant 1 : i32
    %add3A_17 = arith.addi %mul3A_6, %add3A_16 : i32
    %dma_start3A_18 = arith.constant 0 : i32
    %dma_start3A_19 = arith.constant 0 : i32
    %dma_start3A_20 = tpu.memref_slice %arg3[%add3A_17, %dma_start3A_18, %dma_start3A_19] : memref<4000x3x80xi32, #tpu.memory_space<hbm>> -> memref<1x3x80xi32, #tpu.memory_space<hbm>>
    %dma_start3A_21 = tpu.memref_squeeze %dma_start3A_20 : memref<1x3x80xi32, #tpu.memory_space<hbm>> -> memref<3x80xi32, #tpu.memory_space<hbm>>
    %dma_start3A_22 = arith.constant 0 : i32
    %dma_start3A_23 = arith.constant 0 : i32
    %dma_start3A_24 = tpu.memref_slice %arg3[%add3A_17, %dma_start3A_22, %dma_start3A_23] : memref<4000x3x80xi32, #tpu.memory_space<hbm>> -> memref<1x3x80xi32, #tpu.memory_space<hbm>>
    %dma_start3A_25 = tpu.memref_squeeze %dma_start3A_24 : memref<1x3x80xi32, #tpu.memory_space<hbm>> -> memref<3x80xi32, #tpu.memory_space<hbm>>
    tpu.enqueue_dma source(%dma_start3A_25 : memref<3x80xi32, #tpu.memory_space<hbm>>) target(%arg8 : memref<3x80xi32, #tpu.memory_space<vmem>>) target_semaphore(%arg18 : memref<!tpu.dma_semaphore, #tpu.memory_space<semaphore_mem>>)
    %dma_wait3A = arith.constant 0 : i32
    %dma_wait3A_26 = arith.constant 0 : i32
    %dma_wait3A_27 = arith.constant 0 : i32
    %dma_wait3A_28 = tpu.memref_slice %arg3[%dma_wait3A, %dma_wait3A_26, %dma_wait3A_27] : memref<4000x3x80xi32, #tpu.memory_space<hbm>> -> memref<1x3x80xi32, #tpu.memory_space<hbm>>
    %dma_wait3A_29 = tpu.memref_squeeze %dma_wait3A_28 : memref<1x3x80xi32, #tpu.memory_space<hbm>> -> memref<3x80xi32, #tpu.memory_space<hbm>>
    %dma_wait3A_30 = arith.constant 0 : i32
    %dma_wait3A_31 = arith.constant 0 : i32
    %dma_wait3A_32 = tpu.memref_slice %arg3[%dma_wait3A, %dma_wait3A_30, %dma_wait3A_31] : memref<4000x3x80xi32, #tpu.memory_space<hbm>> -> memref<1x3x80xi32, #tpu.memory_space<hbm>>
    %dma_wait3A_33 = tpu.memref_squeeze %dma_wait3A_32 : memref<1x3x80xi32, #tpu.memory_space<hbm>> -> memref<3x80xi32, #tpu.memory_space<hbm>>
    tpu.wait_dma2 semaphore(%arg17 : memref<!tpu.dma_semaphore, #tpu.memory_space<semaphore_mem>>) src(%dma_wait3A_33 : memref<3x80xi32, #tpu.memory_space<hbm>>) dst(%arg7 : memref<3x80xi32, #tpu.memory_space<vmem>>)
    %dma_start3A_34 = arith.constant 0 : i32
    %dma_start3A_35 = arith.constant 0 : i32
    %dma_start3A_36 = tpu.memref_slice %arg7[%dma_start3A_34, %dma_start3A_35] : memref<3x80xi32, #tpu.memory_space<vmem>> -> memref<1x80xi32, #tpu.memory_space<vmem>>
    %dma_start3A_37 = tpu.memref_squeeze %dma_start3A_36 : memref<1x80xi32, #tpu.memory_space<vmem>> -> memref<80xi32, #tpu.memory_space<vmem>>
    %dma_start3A_38 = arith.constant 0 : i32
    %dma_start3A_39 = arith.constant 0 : i32
    %dma_start3A_40 = tpu.memref_slice %arg2[%dma_start3A_38, %dma_start3A_39] : memref<10000x128xf32, #tpu.memory_space<hbm>> -> memref<10000x128xf32, #tpu.memory_space<hbm>>
    tpu.enqueue_indirect_dma source(%dma_start3A_40 : memref<10000x128xf32, #tpu.memory_space<hbm>>) target(%arg9 : memref<80x128xf32, #tpu.memory_space<vmem>>) offsets(%dma_start3A_37 : memref<80xi32, #tpu.memory_space<vmem>>) semaphore(%arg19 : memref<!tpu.dma_semaphore, #tpu.memory_space<semaphore_mem>>)
    %dma_start3A_41 = arith.constant 1 : i32
    %dma_start3A_42 = arith.constant 0 : i32
    %dma_start3A_43 = tpu.memref_slice %arg7[%dma_start3A_41, %dma_start3A_42] : memref<3x80xi32, #tpu.memory_space<vmem>> -> memref<1x80xi32, #tpu.memory_space<vmem>>
    %dma_start3A_44 = tpu.memref_squeeze %dma_start3A_43 : memref<1x80xi32, #tpu.memory_space<vmem>> -> memref<80xi32, #tpu.memory_space<vmem>>
    %dma_start3A_45 = arith.constant 0 : i32
    %dma_start3A_46 = arith.constant 0 : i32
    %dma_start3A_47 = tpu.memref_slice %arg4[%dma_start3A_45, %dma_start3A_46] : memref<64x128xf32, #tpu.memory_space<hbm>> -> memref<64x128xf32, #tpu.memory_space<hbm>>
    tpu.enqueue_indirect_dma source(%dma_start3A_47 : memref<64x128xf32, #tpu.memory_space<hbm>>) target(%arg11 : memref<80x128xf32, #tpu.memory_space<vmem>>) offsets(%dma_start3A_44 : memref<80xi32, #tpu.memory_space<vmem>>) semaphore(%arg21 : memref<!tpu.dma_semaphore, #tpu.memory_space<semaphore_mem>>)
    %scan3A = arith.constant 0 : i32
    %scan3A_48 = arith.constant 0 : i32
    %scan3A_49 = arith.constant 62 : i32
    %scan3A_50 = arith.addi %scan3A_48, %scan3A_49 : i32
    %scan3A_51 = arith.constant 1 : i32
    scf.for %scan3A_120 = %scan3A_48 to %scan3A_50 step %scan3A_51  : i32 {
      %mul3A_121 = arith.constant 2 : i32
      %mul3A_122 = arith.muli %mul3A_121, %scan3A_120 : i32
      %add3A_123 = arith.constant 1 : i32
      %add3A_124 = arith.addi %mul3A_122, %add3A_123 : i32
      %eq3A_125 = arith.constant 61 : i32
      %eq3A_126 = arith.cmpi eq, %scan3A_120, %eq3A_125 : i32
      %gt3A = arith.constant 0 : i32
      %gt3A_127 = arith.cmpi sgt, %scan3A_120, %gt3A : i32
      %convert_element_type3A_128 = arith.extui %gt3A_127 : i1 to i32
      %cond3A_129 = arith.constant 0 : i32
      %cond3A_130 = arith.cmpi ne, %convert_element_type3A_128, %cond3A_129 : i32
      scf.if %cond3A_130 {
        %dma_wait3A_321 = arith.constant 0 : i32
        %dma_wait3A_322 = arith.constant 0 : i32
        %dma_wait3A_323 = tpu.memref_slice %arg16[%dma_wait3A_321, %dma_wait3A_322] : memref<10112x128xf32, #tpu.memory_space<vmem_shared>> -> memref<10112x128xf32, #tpu.memory_space<vmem_shared>>
        tpu.wait_indirect_dma semaphore(%arg24 : memref<!tpu.dma_semaphore, #tpu.memory_space<semaphore_mem>>) src(%arg10 : memref<80x128xf32, #tpu.memory_space<vmem>>) dst(%dma_wait3A_323 : memref<10112x128xf32, #tpu.memory_space<vmem_shared>>)
      } else {
      }
      %dma_wait3A_131 = arith.constant 0 : i32
      %dma_wait3A_132 = arith.constant 0 : i32
      %dma_wait3A_133 = arith.constant 0 : i32
      %dma_wait3A_134 = tpu.memref_slice %arg3[%dma_wait3A_131, %dma_wait3A_132, %dma_wait3A_133] : memref<4000x3x80xi32, #tpu.memory_space<hbm>> -> memref<1x3x80xi32, #tpu.memory_space<hbm>>
      %dma_wait3A_135 = tpu.memref_squeeze %dma_wait3A_134 : memref<1x3x80xi32, #tpu.memory_space<hbm>> -> memref<3x80xi32, #tpu.memory_space<hbm>>
      %dma_wait3A_136 = arith.constant 0 : i32
      %dma_wait3A_137 = arith.constant 0 : i32
      %dma_wait3A_138 = tpu.memref_slice %arg3[%dma_wait3A_131, %dma_wait3A_136, %dma_wait3A_137] : memref<4000x3x80xi32, #tpu.memory_space<hbm>> -> memref<1x3x80xi32, #tpu.memory_space<hbm>>
      %dma_wait3A_139 = tpu.memref_squeeze %dma_wait3A_138 : memref<1x3x80xi32, #tpu.memory_space<hbm>> -> memref<3x80xi32, #tpu.memory_space<hbm>>
      tpu.wait_dma2 semaphore(%arg18 : memref<!tpu.dma_semaphore, #tpu.memory_space<semaphore_mem>>) src(%dma_wait3A_139 : memref<3x80xi32, #tpu.memory_space<hbm>>) dst(%arg8 : memref<3x80xi32, #tpu.memory_space<vmem>>)
      %dma_start3A_140 = arith.constant 0 : i32
      %dma_start3A_141 = arith.constant 0 : i32
      %dma_start3A_142 = tpu.memref_slice %arg8[%dma_start3A_140, %dma_start3A_141] : memref<3x80xi32, #tpu.memory_space<vmem>> -> memref<1x80xi32, #tpu.memory_space<vmem>>
      %dma_start3A_143 = tpu.memref_squeeze %dma_start3A_142 : memref<1x80xi32, #tpu.memory_space<vmem>> -> memref<80xi32, #tpu.memory_space<vmem>>
      %dma_start3A_144 = arith.constant 0 : i32
      %dma_start3A_145 = arith.constant 0 : i32
      %dma_start3A_146 = tpu.memref_slice %arg2[%dma_start3A_144, %dma_start3A_145] : memref<10000x128xf32, #tpu.memory_space<hbm>> -> memref<10000x128xf32, #tpu.memory_space<hbm>>
      tpu.enqueue_indirect_dma source(%dma_start3A_146 : memref<10000x128xf32, #tpu.memory_space<hbm>>) target(%arg10 : memref<80x128xf32, #tpu.memory_space<vmem>>) offsets(%dma_start3A_143 : memref<80xi32, #tpu.memory_space<vmem>>) semaphore(%arg20 : memref<!tpu.dma_semaphore, #tpu.memory_space<semaphore_mem>>)
      %dma_start3A_147 = arith.constant 1 : i32
      %dma_start3A_148 = arith.constant 0 : i32
      %dma_start3A_149 = tpu.memref_slice %arg8[%dma_start3A_147, %dma_start3A_148] : memref<3x80xi32, #tpu.memory_space<vmem>> -> memref<1x80xi32, #tpu.memory_space<vmem>>
      %dma_start3A_150 = tpu.memref_squeeze %dma_start3A_149 : memref<1x80xi32, #tpu.memory_space<vmem>> -> memref<80xi32, #tpu.memory_space<vmem>>
      %dma_start3A_151 = arith.constant 0 : i32
      %dma_start3A_152 = arith.constant 0 : i32
      %dma_start3A_153 = tpu.memref_slice %arg4[%dma_start3A_151, %dma_start3A_152] : memref<64x128xf32, #tpu.memory_space<hbm>> -> memref<64x128xf32, #tpu.memory_space<hbm>>
      tpu.enqueue_indirect_dma source(%dma_start3A_153 : memref<64x128xf32, #tpu.memory_space<hbm>>) target(%arg12 : memref<80x128xf32, #tpu.memory_space<vmem>>) offsets(%dma_start3A_150 : memref<80xi32, #tpu.memory_space<vmem>>) semaphore(%arg22 : memref<!tpu.dma_semaphore, #tpu.memory_space<semaphore_mem>>)
      %dma_wait3A_154 = arith.constant 0 : i32
      %dma_wait3A_155 = arith.constant 0 : i32
      %dma_wait3A_156 = tpu.memref_slice %arg2[%dma_wait3A_154, %dma_wait3A_155] : memref<10000x128xf32, #tpu.memory_space<hbm>> -> memref<80x128xf32, #tpu.memory_space<hbm>>
      %dma_wait3A_157 = arith.constant 0 : i32
      %dma_wait3A_158 = arith.constant 0 : i32
      %dma_wait3A_159 = tpu.memref_slice %arg2[%dma_wait3A_157, %dma_wait3A_158] : memref<10000x128xf32, #tpu.memory_space<hbm>> -> memref<80x128xf32, #tpu.memory_space<hbm>>
      tpu.wait_dma2 semaphore(%arg19 : memref<!tpu.dma_semaphore, #tpu.memory_space<semaphore_mem>>) src(%dma_wait3A_159 : memref<80x128xf32, #tpu.memory_space<hbm>>) dst(%arg9 : memref<80x128xf32, #tpu.memory_space<vmem>>)
      %dma_wait3A_160 = arith.constant 0 : i32
      %dma_wait3A_161 = arith.constant 0 : i32
      %dma_wait3A_162 = tpu.memref_slice %arg4[%dma_wait3A_160, %dma_wait3A_161] : memref<64x128xf32, #tpu.memory_space<hbm>> -> memref<80x128xf32, #tpu.memory_space<hbm>>
      %dma_wait3A_163 = arith.constant 0 : i32
      %dma_wait3A_164 = arith.constant 0 : i32
      %dma_wait3A_165 = tpu.memref_slice %arg4[%dma_wait3A_163, %dma_wait3A_164] : memref<64x128xf32, #tpu.memory_space<hbm>> -> memref<80x128xf32, #tpu.memory_space<hbm>>
      tpu.wait_dma2 semaphore(%arg21 : memref<!tpu.dma_semaphore, #tpu.memory_space<semaphore_mem>>) src(%dma_wait3A_165 : memref<80x128xf32, #tpu.memory_space<hbm>>) dst(%arg11 : memref<80x128xf32, #tpu.memory_space<vmem>>)
      %parallel_loop3A_166 = arith.constant 0 : i32
      %parallel_loop3A_167 = arith.constant 80 : i32
      %parallel_loop3A_168 = arith.constant 1 : i32
      scf.for %parallel_loop3A_321 = %parallel_loop3A_166 to %parallel_loop3A_167 step %parallel_loop3A_168  : i32 {
        %parallel_loop3A_322 = arith.index_cast %parallel_loop3A_321 : i32 to index
        %parallel_loop3A_323 = arith.constant 0 : index
        %parallel_loop3A_324 = tpu.vector_load %arg9[%parallel_loop3A_322, %parallel_loop3A_323] {strides = array<i32>} : memref<80x128xf32, #tpu.memory_space<vmem>>, vector<1x16xf32>,
        %parallel_loop3A_325 = vector.shape_cast %parallel_loop3A_324 : vector<1x16xf32> to vector<16xf32>
        %parallel_loop3A_326 = arith.index_cast %parallel_loop3A_321 : i32 to index
        %parallel_loop3A_327 = arith.constant 0 : index
        %parallel_loop3A_328 = tpu.vector_load %arg11[%parallel_loop3A_326, %parallel_loop3A_327] {strides = array<i32>} : memref<80x128xf32, #tpu.memory_space<vmem>>, vector<1x16xf32>,
        %parallel_loop3A_329 = vector.shape_cast %parallel_loop3A_328 : vector<1x16xf32> to vector<16xf32>
        %parallel_loop3A_330 = arith.addf %parallel_loop3A_325, %parallel_loop3A_329 : vector<16xf32>
        %parallel_loop3A_331 = arith.constant 0.000000e+00 : f32
        %parallel_loop3A_332 = vector.broadcast %parallel_loop3A_331 : f32 to vector<16xf32>
        %parallel_loop3A_333 = arith.maximumf %parallel_loop3A_330, %parallel_loop3A_332 : vector<16xf32>
        %parallel_loop3A_334 = arith.index_cast %parallel_loop3A_321 : i32 to index
        %parallel_loop3A_335 = arith.constant 0 : index
        %parallel_loop3A_336 = tpu.vector_load %arg9[%parallel_loop3A_334, %parallel_loop3A_335] {strides = array<i32>} : memref<80x128xf32, #tpu.memory_space<vmem>>, vector<1x16xf32>,
        %parallel_loop3A_337 = vector.shape_cast %parallel_loop3A_336 : vector<1x16xf32> to vector<16xf32>
        %parallel_loop3A_338 = vector.shape_cast %parallel_loop3A_333 : vector<16xf32> to vector<1x16xf32>
        tpu.vector_store %arg9[%parallel_loop3A_334, %parallel_loop3A_335], %parallel_loop3A_338 {strides = array<i32>} : memref<80x128xf32, #tpu.memory_space<vmem>>, vector<1x16xf32>,
        %parallel_loop3A_339 = arith.index_cast %parallel_loop3A_321 : i32 to index
        %parallel_loop3A_340 = arith.constant 16 : index
        %parallel_loop3A_341 = tpu.vector_load %arg9[%parallel_loop3A_339, %parallel_loop3A_340] {strides = array<i32>} : memref<80x128xf32, #tpu.memory_space<vmem>>, vector<1x16xf32>,
        %parallel_loop3A_342 = vector.shape_cast %parallel_loop3A_341 : vector<1x16xf32> to vector<16xf32>
        %parallel_loop3A_343 = arith.index_cast %parallel_loop3A_321 : i32 to index
        %parallel_loop3A_344 = arith.constant 16 : index
        %parallel_loop3A_345 = tpu.vector_load %arg11[%parallel_loop3A_343, %parallel_loop3A_344] {strides = array<i32>} : memref<80x128xf32, #tpu.memory_space<vmem>>, vector<1x16xf32>,
        %parallel_loop3A_346 = vector.shape_cast %parallel_loop3A_345 : vector<1x16xf32> to vector<16xf32>
        %parallel_loop3A_347 = arith.addf %parallel_loop3A_342, %parallel_loop3A_346 : vector<16xf32>
        %parallel_loop3A_348 = arith.constant 0.000000e+00 : f32
        %parallel_loop3A_349 = vector.broadcast %parallel_loop3A_348 : f32 to vector<16xf32>
        %parallel_loop3A_350 = arith.maximumf %parallel_loop3A_347, %parallel_loop3A_349 : vector<16xf32>
        %parallel_loop3A_351 = arith.index_cast %parallel_loop3A_321 : i32 to index
        %parallel_loop3A_352 = arith.constant 16 : index
        %parallel_loop3A_353 = tpu.vector_load %arg9[%parallel_loop3A_351, %parallel_loop3A_352] {strides = array<i32>} : memref<80x128xf32, #tpu.memory_space<vmem>>, vector<1x16xf32>,
        %parallel_loop3A_354 = vector.shape_cast %parallel_loop3A_353 : vector<1x16xf32> to vector<16xf32>
        %parallel_loop3A_355 = vector.shape_cast %parallel_loop3A_350 : vector<16xf32> to vector<1x16xf32>
        tpu.vector_store %arg9[%parallel_loop3A_351, %parallel_loop3A_352], %parallel_loop3A_355 {strides = array<i32>} : memref<80x128xf32, #tpu.memory_space<vmem>>, vector<1x16xf32>,
        %parallel_loop3A_356 = arith.index_cast %parallel_loop3A_321 : i32 to index
        %parallel_loop3A_357 = arith.constant 32 : index
        %parallel_loop3A_358 = tpu.vector_load %arg9[%parallel_loop3A_356, %parallel_loop3A_357] {strides = array<i32>} : memref<80x128xf32, #tpu.memory_space<vmem>>, vector<1x16xf32>,
        %parallel_loop3A_359 = vector.shape_cast %parallel_loop3A_358 : vector<1x16xf32> to vector<16xf32>
        %parallel_loop3A_360 = arith.index_cast %parallel_loop3A_321 : i32 to index
        %parallel_loop3A_361 = arith.constant 32 : index
        %parallel_loop3A_362 = tpu.vector_load %arg11[%parallel_loop3A_360, %parallel_loop3A_361] {strides = array<i32>} : memref<80x128xf32, #tpu.memory_space<vmem>>, vector<1x16xf32>,
        %parallel_loop3A_363 = vector.shape_cast %parallel_loop3A_362 : vector<1x16xf32> to vector<16xf32>
        %parallel_loop3A_364 = arith.addf %parallel_loop3A_359, %parallel_loop3A_363 : vector<16xf32>
        %parallel_loop3A_365 = arith.constant 0.000000e+00 : f32
        %parallel_loop3A_366 = vector.broadcast %parallel_loop3A_365 : f32 to vector<16xf32>
        %parallel_loop3A_367 = arith.maximumf %parallel_loop3A_364, %parallel_loop3A_366 : vector<16xf32>
        %parallel_loop3A_368 = arith.index_cast %parallel_loop3A_321 : i32 to index
        %parallel_loop3A_369 = arith.constant 32 : index
        %parallel_loop3A_370 = tpu.vector_load %arg9[%parallel_loop3A_368, %parallel_loop3A_369] {strides = array<i32>} : memref<80x128xf32, #tpu.memory_space<vmem>>, vector<1x16xf32>,
        %parallel_loop3A_371 = vector.shape_cast %parallel_loop3A_370 : vector<1x16xf32> to vector<16xf32>
        %parallel_loop3A_372 = vector.shape_cast %parallel_loop3A_367 : vector<16xf32> to vector<1x16xf32>
        tpu.vector_store %arg9[%parallel_loop3A_368, %parallel_loop3A_369], %parallel_loop3A_372 {strides = array<i32>} : memref<80x128xf32, #tpu.memory_space<vmem>>, vector<1x16xf32>,
        %parallel_loop3A_373 = arith.index_cast %parallel_loop3A_321 : i32 to index
        %parallel_loop3A_374 = arith.constant 48 : index
        %parallel_loop3A_375 = tpu.vector_load %arg9[%parallel_loop3A_373, %parallel_loop3A_374] {strides = array<i32>} : memref<80x128xf32, #tpu.memory_space<vmem>>, vector<1x16xf32>,
        %parallel_loop3A_376 = vector.shape_cast %parallel_loop3A_375 : vector<1x16xf32> to vector<16xf32>
        %parallel_loop3A_377 = arith.index_cast %parallel_loop3A_321 : i32 to index
        %parallel_loop3A_378 = arith.constant 48 : index
        %parallel_loop3A_379 = tpu.vector_load %arg11[%parallel_loop3A_377, %parallel_loop3A_378] {strides = array<i32>} : memref<80x128xf32, #tpu.memory_space<vmem>>, vector<1x16xf32>,
        %parallel_loop3A_380 = vector.shape_cast %parallel_loop3A_379 : vector<1x16xf32> to vector<16xf32>
        %parallel_loop3A_381 = arith.addf %parallel_loop3A_376, %parallel_loop3A_380 : vector<16xf32>
        %parallel_loop3A_382 = arith.constant 0.000000e+00 : f32
        %parallel_loop3A_383 = vector.broadcast %parallel_loop3A_382 : f32 to vector<16xf32>
        %parallel_loop3A_384 = arith.maximumf %parallel_loop3A_381, %parallel_loop3A_383 : vector<16xf32>
        %parallel_loop3A_385 = arith.index_cast %parallel_loop3A_321 : i32 to index
        %parallel_loop3A_386 = arith.constant 48 : index
        %parallel_loop3A_387 = tpu.vector_load %arg9[%parallel_loop3A_385, %parallel_loop3A_386] {strides = array<i32>} : memref<80x128xf32, #tpu.memory_space<vmem>>, vector<1x16xf32>,
        %parallel_loop3A_388 = vector.shape_cast %parallel_loop3A_387 : vector<1x16xf32> to vector<16xf32>
        %parallel_loop3A_389 = vector.shape_cast %parallel_loop3A_384 : vector<16xf32> to vector<1x16xf32>
        tpu.vector_store %arg9[%parallel_loop3A_385, %parallel_loop3A_386], %parallel_loop3A_389 {strides = array<i32>} : memref<80x128xf32, #tpu.memory_space<vmem>>, vector<1x16xf32>,
        %parallel_loop3A_390 = arith.index_cast %parallel_loop3A_321 : i32 to index
        %parallel_loop3A_391 = arith.constant 64 : index
        %parallel_loop3A_392 = tpu.vector_load %arg9[%parallel_loop3A_390, %parallel_loop3A_391] {strides = array<i32>} : memref<80x128xf32, #tpu.memory_space<vmem>>, vector<1x16xf32>,
        %parallel_loop3A_393 = vector.shape_cast %parallel_loop3A_392 : vector<1x16xf32> to vector<16xf32>
        %parallel_loop3A_394 = arith.index_cast %parallel_loop3A_321 : i32 to index
        %parallel_loop3A_395 = arith.constant 64 : index
        %parallel_loop3A_396 = tpu.vector_load %arg11[%parallel_loop3A_394, %parallel_loop3A_395] {strides = array<i32>} : memref<80x128xf32, #tpu.memory_space<vmem>>, vector<1x16xf32>,
        %parallel_loop3A_397 = vector.shape_cast %parallel_loop3A_396 : vector<1x16xf32> to vector<16xf32>
        %parallel_loop3A_398 = arith.addf %parallel_loop3A_393, %parallel_loop3A_397 : vector<16xf32>
        %parallel_loop3A_399 = arith.constant 0.000000e+00 : f32
        %parallel_loop3A_400 = vector.broadcast %parallel_loop3A_399 : f32 to vector<16xf32>
        %parallel_loop3A_401 = arith.maximumf %parallel_loop3A_398, %parallel_loop3A_400 : vector<16xf32>
        %parallel_loop3A_402 = arith.index_cast %parallel_loop3A_321 : i32 to index
        %parallel_loop3A_403 = arith.constant 64 : index
        %parallel_loop3A_404 = tpu.vector_load %arg9[%parallel_loop3A_402, %parallel_loop3A_403] {strides = array<i32>} : memref<80x128xf32, #tpu.memory_space<vmem>>, vector<1x16xf32>,
        %parallel_loop3A_405 = vector.shape_cast %parallel_loop3A_404 : vector<1x16xf32> to vector<16xf32>
        %parallel_loop3A_406 = vector.shape_cast %parallel_loop3A_401 : vector<16xf32> to vector<1x16xf32>
        tpu.vector_store %arg9[%parallel_loop3A_402, %parallel_loop3A_403], %parallel_loop3A_406 {strides = array<i32>} : memref<80x128xf32, #tpu.memory_space<vmem>>, vector<1x16xf32>,
        %parallel_loop3A_407 = arith.index_cast %parallel_loop3A_321 : i32 to index
        %parallel_loop3A_408 = arith.constant 80 : index
        %parallel_loop3A_409 = tpu.vector_load %arg9[%parallel_loop3A_407, %parallel_loop3A_408] {strides = array<i32>} : memref<80x128xf32, #tpu.memory_space<vmem>>, vector<1x16xf32>,
        %parallel_loop3A_410 = vector.shape_cast %parallel_loop3A_409 : vector<1x16xf32> to vector<16xf32>
        %parallel_loop3A_411 = arith.index_cast %parallel_loop3A_321 : i32 to index
        %parallel_loop3A_412 = arith.constant 80 : index
        %parallel_loop3A_413 = tpu.vector_load %arg11[%parallel_loop3A_411, %parallel_loop3A_412] {strides = array<i32>} : memref<80x128xf32, #tpu.memory_space<vmem>>, vector<1x16xf32>,
        %parallel_loop3A_414 = vector.shape_cast %parallel_loop3A_413 : vector<1x16xf32> to vector<16xf32>
        %parallel_loop3A_415 = arith.addf %parallel_loop3A_410, %parallel_loop3A_414 : vector<16xf32>
        %parallel_loop3A_416 = arith.constant 0.000000e+00 : f32
        %parallel_loop3A_417 = vector.broadcast %parallel_loop3A_416 : f32 to vector<16xf32>
        %parallel_loop3A_418 = arith.maximumf %parallel_loop3A_415, %parallel_loop3A_417 : vector<16xf32>
        %parallel_loop3A_419 = arith.index_cast %parallel_loop3A_321 : i32 to index
        %parallel_loop3A_420 = arith.constant 80 : index
        %parallel_loop3A_421 = tpu.vector_load %arg9[%parallel_loop3A_419, %parallel_loop3A_420] {strides = array<i32>} : memref<80x128xf32, #tpu.memory_space<vmem>>, vector<1x16xf32>,
        %parallel_loop3A_422 = vector.shape_cast %parallel_loop3A_421 : vector<1x16xf32> to vector<16xf32>
        %parallel_loop3A_423 = vector.shape_cast %parallel_loop3A_418 : vector<16xf32> to vector<1x16xf32>
        tpu.vector_store %arg9[%parallel_loop3A_419, %parallel_loop3A_420], %parallel_loop3A_423 {strides = array<i32>} : memref<80x128xf32, #tpu.memory_space<vmem>>, vector<1x16xf32>,
        %parallel_loop3A_424 = arith.index_cast %parallel_loop3A_321 : i32 to index
        %parallel_loop3A_425 = arith.constant 96 : index
        %parallel_loop3A_426 = tpu.vector_load %arg9[%parallel_loop3A_424, %parallel_loop3A_425] {strides = array<i32>} : memref<80x128xf32, #tpu.memory_space<vmem>>, vector<1x16xf32>,
        %parallel_loop3A_427 = vector.shape_cast %parallel_loop3A_426 : vector<1x16xf32> to vector<16xf32>
        %parallel_loop3A_428 = arith.index_cast %parallel_loop3A_321 : i32 to index
        %parallel_loop3A_429 = arith.constant 96 : index
        %parallel_loop3A_430 = tpu.vector_load %arg11[%parallel_loop3A_428, %parallel_loop3A_429] {strides = array<i32>} : memref<80x128xf32, #tpu.memory_space<vmem>>, vector<1x16xf32>,
        %parallel_loop3A_431 = vector.shape_cast %parallel_loop3A_430 : vector<1x16xf32> to vector<16xf32>
        %parallel_loop3A_432 = arith.addf %parallel_loop3A_427, %parallel_loop3A_431 : vector<16xf32>
        %parallel_loop3A_433 = arith.constant 0.000000e+00 : f32
        %parallel_loop3A_434 = vector.broadcast %parallel_loop3A_433 : f32 to vector<16xf32>
        %parallel_loop3A_435 = arith.maximumf %parallel_loop3A_432, %parallel_loop3A_434 : vector<16xf32>
        %parallel_loop3A_436 = arith.index_cast %parallel_loop3A_321 : i32 to index
        %parallel_loop3A_437 = arith.constant 96 : index
        %parallel_loop3A_438 = tpu.vector_load %arg9[%parallel_loop3A_436, %parallel_loop3A_437] {strides = array<i32>} : memref<80x128xf32, #tpu.memory_space<vmem>>, vector<1x16xf32>,
        %parallel_loop3A_439 = vector.shape_cast %parallel_loop3A_438 : vector<1x16xf32> to vector<16xf32>
        %parallel_loop3A_440 = vector.shape_cast %parallel_loop3A_435 : vector<16xf32> to vector<1x16xf32>
        tpu.vector_store %arg9[%parallel_loop3A_436, %parallel_loop3A_437], %parallel_loop3A_440 {strides = array<i32>} : memref<80x128xf32, #tpu.memory_space<vmem>>, vector<1x16xf32>,
        %parallel_loop3A_441 = arith.index_cast %parallel_loop3A_321 : i32 to index
        %parallel_loop3A_442 = arith.constant 112 : index
        %parallel_loop3A_443 = tpu.vector_load %arg9[%parallel_loop3A_441, %parallel_loop3A_442] {strides = array<i32>} : memref<80x128xf32, #tpu.memory_space<vmem>>, vector<1x16xf32>,
        %parallel_loop3A_444 = vector.shape_cast %parallel_loop3A_443 : vector<1x16xf32> to vector<16xf32>
        %parallel_loop3A_445 = arith.index_cast %parallel_loop3A_321 : i32 to index
        %parallel_loop3A_446 = arith.constant 112 : index
        %parallel_loop3A_447 = tpu.vector_load %arg11[%parallel_loop3A_445, %parallel_loop3A_446] {strides = array<i32>} : memref<80x128xf32, #tpu.memory_space<vmem>>, vector<1x16xf32>,
        %parallel_loop3A_448 = vector.shape_cast %parallel_loop3A_447 : vector<1x16xf32> to vector<16xf32>
        %parallel_loop3A_449 = arith.addf %parallel_loop3A_444, %parallel_loop3A_448 : vector<16xf32>
        %parallel_loop3A_450 = arith.constant 0.000000e+00 : f32
        %parallel_loop3A_451 = vector.broadcast %parallel_loop3A_450 : f32 to vector<16xf32>
        %parallel_loop3A_452 = arith.maximumf %parallel_loop3A_449, %parallel_loop3A_451 : vector<16xf32>
        %parallel_loop3A_453 = arith.index_cast %parallel_loop3A_321 : i32 to index
        %parallel_loop3A_454 = arith.constant 112 : index
        %parallel_loop3A_455 = tpu.vector_load %arg9[%parallel_loop3A_453, %parallel_loop3A_454] {strides = array<i32>} : memref<80x128xf32, #tpu.memory_space<vmem>>, vector<1x16xf32>,
        %parallel_loop3A_456 = vector.shape_cast %parallel_loop3A_455 : vector<1x16xf32> to vector<16xf32>
        %parallel_loop3A_457 = vector.shape_cast %parallel_loop3A_452 : vector<16xf32> to vector<1x16xf32>
        tpu.vector_store %arg9[%parallel_loop3A_453, %parallel_loop3A_454], %parallel_loop3A_457 {strides = array<i32>} : memref<80x128xf32, #tpu.memory_space<vmem>>, vector<1x16xf32>,
      } {sc.loop_unroll_factor = 4 : i64, sc.parallel_access}
      %get3A_169 = arith.constant 2 : i32
      %get3A_170 = arith.index_cast %get3A_169 : i32 to index
      %get3A_171 = arith.constant 0 : index
      %get3A_172 = tpu.vector_load %arg7[%get3A_170, %get3A_171] {strides = array<i32>} : memref<3x80xi32, #tpu.memory_space<vmem>>, vector<1x16xi32>,
      %get3A_173 = vector.shape_cast %get3A_172 : vector<1x16xi32> to vector<16xi32>
      %swap3A_174 = arith.constant 0 : index
      %swap3A_175 = tpu.vector_load %arg13[%swap3A_174] {strides = array<i32>} : memref<80xi32, #tpu.memory_space<vmem>>, vector<16xi32>,
      %swap3A_176 = vector.shape_cast %swap3A_175 : vector<16xi32> to vector<16xi32>
      %swap3A_177 = vector.shape_cast %get3A_173 : vector<16xi32> to vector<16xi32>
      tpu.vector_store %arg13[%swap3A_174], %swap3A_177 {strides = array<i32>} : memref<80xi32, #tpu.memory_space<vmem>>, vector<16xi32>,
      %get3A_178 = arith.constant 2 : i32
      %get3A_179 = arith.index_cast %get3A_178 : i32 to index
      %get3A_180 = arith.constant 16 : index
      %get3A_181 = tpu.vector_load %arg7[%get3A_179, %get3A_180] {strides = array<i32>} : memref<3x80xi32, #tpu.memory_space<vmem>>, vector<1x16xi32>,
      %get3A_182 = vector.shape_cast %get3A_181 : vector<1x16xi32> to vector<16xi32>
      %swap3A_183 = arith.constant 16 : index
      %swap3A_184 = tpu.vector_load %arg13[%swap3A_183] {strides = array<i32>} : memref<80xi32, #tpu.memory_space<vmem>>, vector<16xi32>,
      %swap3A_185 = vector.shape_cast %swap3A_184 : vector<16xi32> to vector<16xi32>
      %swap3A_186 = vector.shape_cast %get3A_182 : vector<16xi32> to vector<16xi32>
      tpu.vector_store %arg13[%swap3A_183], %swap3A_186 {strides = array<i32>} : memref<80xi32, #tpu.memory_space<vmem>>, vector<16xi32>,
      %get3A_187 = arith.constant 2 : i32
      %get3A_188 = arith.index_cast %get3A_187 : i32 to index
      %get3A_189 = arith.constant 32 : index
      %get3A_190 = tpu.vector_load %arg7[%get3A_188, %get3A_189] {strides = array<i32>} : memref<3x80xi32, #tpu.memory_space<vmem>>, vector<1x16xi32>,
      %get3A_191 = vector.shape_cast %get3A_190 : vector<1x16xi32> to vector<16xi32>
      %swap3A_192 = arith.constant 32 : index
      %swap3A_193 = tpu.vector_load %arg13[%swap3A_192] {strides = array<i32>} : memref<80xi32, #tpu.memory_space<vmem>>, vector<16xi32>,
      %swap3A_194 = vector.shape_cast %swap3A_193 : vector<16xi32> to vector<16xi32>
      %swap3A_195 = vector.shape_cast %get3A_191 : vector<16xi32> to vector<16xi32>
      tpu.vector_store %arg13[%swap3A_192], %swap3A_195 {strides = array<i32>} : memref<80xi32, #tpu.memory_space<vmem>>, vector<16xi32>,
      %get3A_196 = arith.constant 2 : i32
      %get3A_197 = arith.index_cast %get3A_196 : i32 to index
      %get3A_198 = arith.constant 48 : index
      %get3A_199 = tpu.vector_load %arg7[%get3A_197, %get3A_198] {strides = array<i32>} : memref<3x80xi32, #tpu.memory_space<vmem>>, vector<1x16xi32>,
      %get3A_200 = vector.shape_cast %get3A_199 : vector<1x16xi32> to vector<16xi32>
      %swap3A_201 = arith.constant 48 : index
      %swap3A_202 = tpu.vector_load %arg13[%swap3A_201] {strides = array<i32>} : memref<80xi32, #tpu.memory_space<vmem>>, vector<16xi32>,
      %swap3A_203 = vector.shape_cast %swap3A_202 : vector<16xi32> to vector<16xi32>
      %swap3A_204 = vector.shape_cast %get3A_200 : vector<16xi32> to vector<16xi32>
      tpu.vector_store %arg13[%swap3A_201], %swap3A_204 {strides = array<i32>} : memref<80xi32, #tpu.memory_space<vmem>>, vector<16xi32>,
      %get3A_205 = arith.constant 2 : i32
      %get3A_206 = arith.index_cast %get3A_205 : i32 to index
      %get3A_207 = arith.constant 64 : index
      %get3A_208 = tpu.vector_load %arg7[%get3A_206, %get3A_207] {strides = array<i32>} : memref<3x80xi32, #tpu.memory_space<vmem>>, vector<1x16xi32>,
      %get3A_209 = vector.shape_cast %get3A_208 : vector<1x16xi32> to vector<16xi32>
      %swap3A_210 = arith.constant 64 : index
      %swap3A_211 = tpu.vector_load %arg13[%swap3A_210] {strides = array<i32>} : memref<80xi32, #tpu.memory_space<vmem>>, vector<16xi32>,
      %swap3A_212 = vector.shape_cast %swap3A_211 : vector<16xi32> to vector<16xi32>
      %swap3A_213 = vector.shape_cast %get3A_209 : vector<16xi32> to vector<16xi32>
      tpu.vector_store %arg13[%swap3A_210], %swap3A_213 {strides = array<i32>} : memref<80xi32, #tpu.memory_space<vmem>>, vector<16xi32>,
      %dma_start3A_214 = arith.constant 0 : i32
      %dma_start3A_215 = arith.constant 0 : i32
      %dma_start3A_216 = tpu.memref_slice %arg16[%dma_start3A_214, %dma_start3A_215] : memref<10112x128xf32, #tpu.memory_space<vmem_shared>> -> memref<10112x128xf32, #tpu.memory_space<vmem_shared>>
      tpu.enqueue_indirect_dma source(%arg9 : memref<80x128xf32, #tpu.memory_space<vmem>>) target(%dma_start3A_216 : memref<10112x128xf32, #tpu.memory_space<vmem_shared>>) offsets(%arg13 : memref<80xi32, #tpu.memory_space<vmem>>) semaphore(%arg23 : memref<!tpu.dma_semaphore, #tpu.memory_space<semaphore_mem>>) {add = true}
      %add3A_217 = arith.constant 2 : i32
      %add3A_218 = arith.addi %mul3A_122, %add3A_217 : i32
      %add3A_219 = arith.addi %mul3A_6, %add3A_218 : i32
      %dma_start3A_220 = arith.constant 0 : i32
      %dma_start3A_221 = arith.constant 0 : i32
      %dma_start3A_222 = tpu.memref_slice %arg3[%add3A_219, %dma_start3A_220, %dma_start3A_221] : memref<4000x3x80xi32, #tpu.memory_space<hbm>> -> memref<1x3x80xi32, #tpu.memory_space<hbm>>
      %dma_start3A_223 = tpu.memref_squeeze %dma_start3A_222 : memref<1x3x80xi32, #tpu.memory_space<hbm>> -> memref<3x80xi32, #tpu.memory_space<hbm>>
      %dma_start3A_224 = arith.constant 0 : i32
      %dma_start3A_225 = arith.constant 0 : i32
      %dma_start3A_226 = tpu.memref_slice %arg3[%add3A_219, %dma_start3A_224, %dma_start3A_225] : memref<4000x3x80xi32, #tpu.memory_space<hbm>> -> memref<1x3x80xi32, #tpu.memory_space<hbm>>
      %dma_start3A_227 = tpu.memref_squeeze %dma_start3A_226 : memref<1x3x80xi32, #tpu.memory_space<hbm>> -> memref<3x80xi32, #tpu.memory_space<hbm>>
      tpu.enqueue_dma source(%dma_start3A_227 : memref<3x80xi32, #tpu.memory_space<hbm>>) target(%arg7 : memref<3x80xi32, #tpu.memory_space<vmem>>) target_semaphore(%arg17 : memref<!tpu.dma_semaphore, #tpu.memory_space<semaphore_mem>>)
      %dma_wait3A_228 = arith.constant 0 : i32
      %dma_wait3A_229 = arith.constant 0 : i32
      %dma_wait3A_230 = tpu.memref_slice %arg2[%dma_wait3A_228, %dma_wait3A_229] : memref<10000x128xf32, #tpu.memory_space<hbm>> -> memref<80x128xf32, #tpu.memory_space<hbm>>
      %dma_wait3A_231 = arith.constant 0 : i32
      %dma_wait3A_232 = arith.constant 0 : i32
      %dma_wait3A_233 = tpu.memref_slice %arg2[%dma_wait3A_231, %dma_wait3A_232] : memref<10000x128xf32, #tpu.memory_space<hbm>> -> memref<80x128xf32, #tpu.memory_space<hbm>>
      tpu.wait_dma2 semaphore(%arg20 : memref<!tpu.dma_semaphore, #tpu.memory_space<semaphore_mem>>) src(%dma_wait3A_233 : memref<80x128xf32, #tpu.memory_space<hbm>>) dst(%arg10 : memref<80x128xf32, #tpu.memory_space<vmem>>)
      %dma_wait3A_234 = arith.constant 0 : i32
      %dma_wait3A_235 = arith.constant 0 : i32
      %dma_wait3A_236 = tpu.memref_slice %arg4[%dma_wait3A_234, %dma_wait3A_235] : memref<64x128xf32, #tpu.memory_space<hbm>> -> memref<80x128xf32, #tpu.memory_space<hbm>>
      %dma_wait3A_237 = arith.constant 0 : i32
      %dma_wait3A_238 = arith.constant 0 : i32
      %dma_wait3A_239 = tpu.memref_slice %arg4[%dma_wait3A_237, %dma_wait3A_238] : memref<64x128xf32, #tpu.memory_space<hbm>> -> memref<80x128xf32, #tpu.memory_space<hbm>>
      tpu.wait_dma2 semaphore(%arg22 : memref<!tpu.dma_semaphore, #tpu.memory_space<semaphore_mem>>) src(%dma_wait3A_239 : memref<80x128xf32, #tpu.memory_space<hbm>>) dst(%arg12 : memref<80x128xf32, #tpu.memory_space<vmem>>)
      %dma_wait3A_240 = arith.constant 0 : i32
      %dma_wait3A_241 = arith.constant 0 : i32
      %dma_wait3A_242 = tpu.memref_slice %arg16[%dma_wait3A_240, %dma_wait3A_241] : memref<10112x128xf32, #tpu.memory_space<vmem_shared>> -> memref<10112x128xf32, #tpu.memory_space<vmem_shared>>
      tpu.wait_indirect_dma semaphore(%arg23 : memref<!tpu.dma_semaphore, #tpu.memory_space<semaphore_mem>>) src(%arg9 : memref<80x128xf32, #tpu.memory_space<vmem>>) dst(%dma_wait3A_242 : memref<10112x128xf32, #tpu.memory_space<vmem_shared>>)
      %dma_wait3A_243 = arith.constant 0 : i32
      %dma_wait3A_244 = arith.constant 0 : i32
      %dma_wait3A_245 = arith.constant 0 : i32
      %dma_wait3A_246 = tpu.memref_slice %arg3[%dma_wait3A_243, %dma_wait3A_244, %dma_wait3A_245] : memref<4000x3x80xi32, #tpu.memory_space<hbm>> -> memref<1x3x80xi32, #tpu.memory_space<hbm>>
      %dma_wait3A_247 = tpu.memref_squeeze %dma_wait3A_246 : memref<1x3x80xi32, #tpu.memory_space<hbm>> -> memref<3x80xi32, #tpu.memory_space<hbm>>
      %dma_wait3A_248 = arith.constant 0 : i32
      %dma_wait3A_249 = arith.constant 0 : i32
      %dma_wait3A_250 = tpu.memref_slice %arg3[%dma_wait3A_243, %dma_wait3A_248, %dma_wait3A_249] : memref<4000x3x80xi32, #tpu.memory_space<hbm>> -> memref<1x3x80xi32, #tpu.memory_space<hbm>>
      %dma_wait3A_251 = tpu.memref_squeeze %dma_wait3A_250 : memref<1x3x80xi32, #tpu.memory_space<hbm>> -> memref<3x80xi32, #tpu.memory_space<hbm>>
      tpu.wait_dma2 semaphore(%arg17 : memref<!tpu.dma_semaphore, #tpu.memory_space<semaphore_mem>>) src(%dma_wait3A_251 : memref<3x80xi32, #tpu.memory_space<hbm>>) dst(%arg7 : memref<3x80xi32, #tpu.memory_space<vmem>>)
      %dma_start3A_252 = arith.constant 0 : i32
      %dma_start3A_253 = arith.constant 0 : i32
      %dma_start3A_254 = tpu.memref_slice %arg7[%dma_start3A_252, %dma_start3A_253] : memref<3x80xi32, #tpu.memory_space<vmem>> -> memref<1x80xi32, #tpu.memory_space<vmem>>
      %dma_start3A_255 = tpu.memref_squeeze %dma_start3A_254 : memref<1x80xi32, #tpu.memory_space<vmem>> -> memref<80xi32, #tpu.memory_space<vmem>>
      %dma_start3A_256 = arith.constant 0 : i32
      %dma_start3A_257 = arith.constant 0 : i32
      %dma_start3A_258 = tpu.memref_slice %arg2[%dma_start3A_256, %dma_start3A_257] : memref<10000x128xf32, #tpu.memory_space<hbm>> -> memref<10000x128xf32, #tpu.memory_space<hbm>>
      tpu.enqueue_indirect_dma source(%dma_start3A_258 : memref<10000x128xf32, #tpu.memory_space<hbm>>) target(%arg9 : memref<80x128xf32, #tpu.memory_space<vmem>>) offsets(%dma_start3A_255 : memref<80xi32, #tpu.memory_space<vmem>>) semaphore(%arg19 : memref<!tpu.dma_semaphore, #tpu.memory_space<semaphore_mem>>)
      %dma_start3A_259 = arith.constant 1 : i32
      %dma_start3A_260 = arith.constant 0 : i32
      %dma_start3A_261 = tpu.memref_slice %arg7[%dma_start3A_259, %dma_start3A_260] : memref<3x80xi32, #tpu.memory_space<vmem>> -> memref<1x80xi32, #tpu.memory_space<vmem>>
      %dma_start3A_262 = tpu.memref_squeeze %dma_start3A_261 : memref<1x80xi32, #tpu.memory_space<vmem>> -> memref<80xi32, #tpu.memory_space<vmem>>
      %dma_start3A_263 = arith.constant 0 : i32
      %dma_start3A_264 = arith.constant 0 : i32
      %dma_start3A_265 = tpu.memref_slice %arg4[%dma_start3A_263, %dma_start3A_264] : memref<64x128xf32, #tpu.memory_space<hbm>> -> memref<64x128xf32, #tpu.memory_space<hbm>>
      tpu.enqueue_indirect_dma source(%dma_start3A_265 : memref<64x128xf32, #tpu.memory_space<hbm>>) target(%arg11 : memref<80x128xf32, #tpu.memory_space<vmem>>) offsets(%dma_start3A_262 : memref<80xi32, #tpu.memory_space<vmem>>) semaphore(%arg21 : memref<!tpu.dma_semaphore, #tpu.memory_space<semaphore_mem>>)
      %parallel_loop3A_266 = arith.constant 0 : i32
      %parallel_loop3A_267 = arith.constant 80 : i32
      %parallel_loop3A_268 = arith.constant 1 : i32
      scf.for %parallel_loop3A_321 = %parallel_loop3A_266 to %parallel_loop3A_267 step %parallel_loop3A_268  : i32 {
        %parallel_loop3A_322 = arith.index_cast %parallel_loop3A_321 : i32 to index
        %parallel_loop3A_323 = arith.constant 0 : index
        %parallel_loop3A_324 = tpu.vector_load %arg10[%parallel_loop3A_322, %parallel_loop3A_323] {strides = array<i32>} : memref<80x128xf32, #tpu.memory_space<vmem>>, vector<1x16xf32>,
        %parallel_loop3A_325 = vector.shape_cast %parallel_loop3A_324 : vector<1x16xf32> to vector<16xf32>
        %parallel_loop3A_326 = arith.index_cast %parallel_loop3A_321 : i32 to index
        %parallel_loop3A_327 = arith.constant 0 : index
        %parallel_loop3A_328 = tpu.vector_load %arg12[%parallel_loop3A_326, %parallel_loop3A_327] {strides = array<i32>} : memref<80x128xf32, #tpu.memory_space<vmem>>, vector<1x16xf32>,
        %parallel_loop3A_329 = vector.shape_cast %parallel_loop3A_328 : vector<1x16xf32> to vector<16xf32>
        %parallel_loop3A_330 = arith.addf %parallel_loop3A_325, %parallel_loop3A_329 : vector<16xf32>
        %parallel_loop3A_331 = arith.constant 0.000000e+00 : f32
        %parallel_loop3A_332 = vector.broadcast %parallel_loop3A_331 : f32 to vector<16xf32>
        %parallel_loop3A_333 = arith.maximumf %parallel_loop3A_330, %parallel_loop3A_332 : vector<16xf32>
        %parallel_loop3A_334 = arith.index_cast %parallel_loop3A_321 : i32 to index
        %parallel_loop3A_335 = arith.constant 0 : index
        %parallel_loop3A_336 = tpu.vector_load %arg10[%parallel_loop3A_334, %parallel_loop3A_335] {strides = array<i32>} : memref<80x128xf32, #tpu.memory_space<vmem>>, vector<1x16xf32>,
        %parallel_loop3A_337 = vector.shape_cast %parallel_loop3A_336 : vector<1x16xf32> to vector<16xf32>
        %parallel_loop3A_338 = vector.shape_cast %parallel_loop3A_333 : vector<16xf32> to vector<1x16xf32>
        tpu.vector_store %arg10[%parallel_loop3A_334, %parallel_loop3A_335], %parallel_loop3A_338 {strides = array<i32>} : memref<80x128xf32, #tpu.memory_space<vmem>>, vector<1x16xf32>,
        %parallel_loop3A_339 = arith.index_cast %parallel_loop3A_321 : i32 to index
        %parallel_loop3A_340 = arith.constant 16 : index
        %parallel_loop3A_341 = tpu.vector_load %arg10[%parallel_loop3A_339, %parallel_loop3A_340] {strides = array<i32>} : memref<80x128xf32, #tpu.memory_space<vmem>>, vector<1x16xf32>,
        %parallel_loop3A_342 = vector.shape_cast %parallel_loop3A_341 : vector<1x16xf32> to vector<16xf32>
        %parallel_loop3A_343 = arith.index_cast %parallel_loop3A_321 : i32 to index
        %parallel_loop3A_344 = arith.constant 16 : index
        %parallel_loop3A_345 = tpu.vector_load %arg12[%parallel_loop3A_343, %parallel_loop3A_344] {strides = array<i32>} : memref<80x128xf32, #tpu.memory_space<vmem>>, vector<1x16xf32>,
        %parallel_loop3A_346 = vector.shape_cast %parallel_loop3A_345 : vector<1x16xf32> to vector<16xf32>
        %parallel_loop3A_347 = arith.addf %parallel_loop3A_342, %parallel_loop3A_346 : vector<16xf32>
        %parallel_loop3A_348 = arith.constant 0.000000e+00 : f32
        %parallel_loop3A_349 = vector.broadcast %parallel_loop3A_348 : f32 to vector<16xf32>
        %parallel_loop3A_350 = arith.maximumf %parallel_loop3A_347, %parallel_loop3A_349 : vector<16xf32>
        %parallel_loop3A_351 = arith.index_cast %parallel_loop3A_321 : i32 to index
        %parallel_loop3A_352 = arith.constant 16 : index
        %parallel_loop3A_353 = tpu.vector_load %arg10[%parallel_loop3A_351, %parallel_loop3A_352] {strides = array<i32>} : memref<80x128xf32, #tpu.memory_space<vmem>>, vector<1x16xf32>,
        %parallel_loop3A_354 = vector.shape_cast %parallel_loop3A_353 : vector<1x16xf32> to vector<16xf32>
        %parallel_loop3A_355 = vector.shape_cast %parallel_loop3A_350 : vector<16xf32> to vector<1x16xf32>
        tpu.vector_store %arg10[%parallel_loop3A_351, %parallel_loop3A_352], %parallel_loop3A_355 {strides = array<i32>} : memref<80x128xf32, #tpu.memory_space<vmem>>, vector<1x16xf32>,
        %parallel_loop3A_356 = arith.index_cast %parallel_loop3A_321 : i32 to index
        %parallel_loop3A_357 = arith.constant 32 : index
        %parallel_loop3A_358 = tpu.vector_load %arg10[%parallel_loop3A_356, %parallel_loop3A_357] {strides = array<i32>} : memref<80x128xf32, #tpu.memory_space<vmem>>, vector<1x16xf32>,
        %parallel_loop3A_359 = vector.shape_cast %parallel_loop3A_358 : vector<1x16xf32> to vector<16xf32>
        %parallel_loop3A_360 = arith.index_cast %parallel_loop3A_321 : i32 to index
        %parallel_loop3A_361 = arith.constant 32 : index
        %parallel_loop3A_362 = tpu.vector_load %arg12[%parallel_loop3A_360, %parallel_loop3A_361] {strides = array<i32>} : memref<80x128xf32, #tpu.memory_space<vmem>>, vector<1x16xf32>,
        %parallel_loop3A_363 = vector.shape_cast %parallel_loop3A_362 : vector<1x16xf32> to vector<16xf32>
        %parallel_loop3A_364 = arith.addf %parallel_loop3A_359, %parallel_loop3A_363 : vector<16xf32>
        %parallel_loop3A_365 = arith.constant 0.000000e+00 : f32
        %parallel_loop3A_366 = vector.broadcast %parallel_loop3A_365 : f32 to vector<16xf32>
        %parallel_loop3A_367 = arith.maximumf %parallel_loop3A_364, %parallel_loop3A_366 : vector<16xf32>
        %parallel_loop3A_368 = arith.index_cast %parallel_loop3A_321 : i32 to index
        %parallel_loop3A_369 = arith.constant 32 : index
        %parallel_loop3A_370 = tpu.vector_load %arg10[%parallel_loop3A_368, %parallel_loop3A_369] {strides = array<i32>} : memref<80x128xf32, #tpu.memory_space<vmem>>, vector<1x16xf32>,
        %parallel_loop3A_371 = vector.shape_cast %parallel_loop3A_370 : vector<1x16xf32> to vector<16xf32>
        %parallel_loop3A_372 = vector.shape_cast %parallel_loop3A_367 : vector<16xf32> to vector<1x16xf32>
        tpu.vector_store %arg10[%parallel_loop3A_368, %parallel_loop3A_369], %parallel_loop3A_372 {strides = array<i32>} : memref<80x128xf32, #tpu.memory_space<vmem>>, vector<1x16xf32>,
        %parallel_loop3A_373 = arith.index_cast %parallel_loop3A_321 : i32 to index
        %parallel_loop3A_374 = arith.constant 48 : index
        %parallel_loop3A_375 = tpu.vector_load %arg10[%parallel_loop3A_373, %parallel_loop3A_374] {strides = array<i32>} : memref<80x128xf32, #tpu.memory_space<vmem>>, vector<1x16xf32>,
        %parallel_loop3A_376 = vector.shape_cast %parallel_loop3A_375 : vector<1x16xf32> to vector<16xf32>
        %parallel_loop3A_377 = arith.index_cast %parallel_loop3A_321 : i32 to index
        %parallel_loop3A_378 = arith.constant 48 : index
        %parallel_loop3A_379 = tpu.vector_load %arg12[%parallel_loop3A_377, %parallel_loop3A_378] {strides = array<i32>} : memref<80x128xf32, #tpu.memory_space<vmem>>, vector<1x16xf32>,
        %parallel_loop3A_380 = vector.shape_cast %parallel_loop3A_379 : vector<1x16xf32> to vector<16xf32>
        %parallel_loop3A_381 = arith.addf %parallel_loop3A_376, %parallel_loop3A_380 : vector<16xf32>
        %parallel_loop3A_382 = arith.constant 0.000000e+00 : f32
        %parallel_loop3A_383 = vector.broadcast %parallel_loop3A_382 : f32 to vector<16xf32>
        %parallel_loop3A_384 = arith.maximumf %parallel_loop3A_381, %parallel_loop3A_383 : vector<16xf32>
        %parallel_loop3A_385 = arith.index_cast %parallel_loop3A_321 : i32 to index
        %parallel_loop3A_386 = arith.constant 48 : index
        %parallel_loop3A_387 = tpu.vector_load %arg10[%parallel_loop3A_385, %parallel_loop3A_386] {strides = array<i32>} : memref<80x128xf32, #tpu.memory_space<vmem>>, vector<1x16xf32>,
        %parallel_loop3A_388 = vector.shape_cast %parallel_loop3A_387 : vector<1x16xf32> to vector<16xf32>
        %parallel_loop3A_389 = vector.shape_cast %parallel_loop3A_384 : vector<16xf32> to vector<1x16xf32>
        tpu.vector_store %arg10[%parallel_loop3A_385, %parallel_loop3A_386], %parallel_loop3A_389 {strides = array<i32>} : memref<80x128xf32, #tpu.memory_space<vmem>>, vector<1x16xf32>,
        %parallel_loop3A_390 = arith.index_cast %parallel_loop3A_321 : i32 to index
        %parallel_loop3A_391 = arith.constant 64 : index
        %parallel_loop3A_392 = tpu.vector_load %arg10[%parallel_loop3A_390, %parallel_loop3A_391] {strides = array<i32>} : memref<80x128xf32, #tpu.memory_space<vmem>>, vector<1x16xf32>,
        %parallel_loop3A_393 = vector.shape_cast %parallel_loop3A_392 : vector<1x16xf32> to vector<16xf32>
        %parallel_loop3A_394 = arith.index_cast %parallel_loop3A_321 : i32 to index
        %parallel_loop3A_395 = arith.constant 64 : index
        %parallel_loop3A_396 = tpu.vector_load %arg12[%parallel_loop3A_394, %parallel_loop3A_395] {strides = array<i32>} : memref<80x128xf32, #tpu.memory_space<vmem>>, vector<1x16xf32>,
        %parallel_loop3A_397 = vector.shape_cast %parallel_loop3A_396 : vector<1x16xf32> to vector<16xf32>
        %parallel_loop3A_398 = arith.addf %parallel_loop3A_393, %parallel_loop3A_397 : vector<16xf32>
        %parallel_loop3A_399 = arith.constant 0.000000e+00 : f32
        %parallel_loop3A_400 = vector.broadcast %parallel_loop3A_399 : f32 to vector<16xf32>
        %parallel_loop3A_401 = arith.maximumf %parallel_loop3A_398, %parallel_loop3A_400 : vector<16xf32>
        %parallel_loop3A_402 = arith.index_cast %parallel_loop3A_321 : i32 to index
        %parallel_loop3A_403 = arith.constant 64 : index
        %parallel_loop3A_404 = tpu.vector_load %arg10[%parallel_loop3A_402, %parallel_loop3A_403] {strides = array<i32>} : memref<80x128xf32, #tpu.memory_space<vmem>>, vector<1x16xf32>,
        %parallel_loop3A_405 = vector.shape_cast %parallel_loop3A_404 : vector<1x16xf32> to vector<16xf32>
        %parallel_loop3A_406 = vector.shape_cast %parallel_loop3A_401 : vector<16xf32> to vector<1x16xf32>
        tpu.vector_store %arg10[%parallel_loop3A_402, %parallel_loop3A_403], %parallel_loop3A_406 {strides = array<i32>} : memref<80x128xf32, #tpu.memory_space<vmem>>, vector<1x16xf32>,
        %parallel_loop3A_407 = arith.index_cast %parallel_loop3A_321 : i32 to index
        %parallel_loop3A_408 = arith.constant 80 : index
        %parallel_loop3A_409 = tpu.vector_load %arg10[%parallel_loop3A_407, %parallel_loop3A_408] {strides = array<i32>} : memref<80x128xf32, #tpu.memory_space<vmem>>, vector<1x16xf32>,
        %parallel_loop3A_410 = vector.shape_cast %parallel_loop3A_409 : vector<1x16xf32> to vector<16xf32>
        %parallel_loop3A_411 = arith.index_cast %parallel_loop3A_321 : i32 to index
        %parallel_loop3A_412 = arith.constant 80 : index
        %parallel_loop3A_413 = tpu.vector_load %arg12[%parallel_loop3A_411, %parallel_loop3A_412] {strides = array<i32>} : memref<80x128xf32, #tpu.memory_space<vmem>>, vector<1x16xf32>,
        %parallel_loop3A_414 = vector.shape_cast %parallel_loop3A_413 : vector<1x16xf32> to vector<16xf32>
        %parallel_loop3A_415 = arith.addf %parallel_loop3A_410, %parallel_loop3A_414 : vector<16xf32>
        %parallel_loop3A_416 = arith.constant 0.000000e+00 : f32
        %parallel_loop3A_417 = vector.broadcast %parallel_loop3A_416 : f32 to vector<16xf32>
        %parallel_loop3A_418 = arith.maximumf %parallel_loop3A_415, %parallel_loop3A_417 : vector<16xf32>
        %parallel_loop3A_419 = arith.index_cast %parallel_loop3A_321 : i32 to index
        %parallel_loop3A_420 = arith.constant 80 : index
        %parallel_loop3A_421 = tpu.vector_load %arg10[%parallel_loop3A_419, %parallel_loop3A_420] {strides = array<i32>} : memref<80x128xf32, #tpu.memory_space<vmem>>, vector<1x16xf32>,
        %parallel_loop3A_422 = vector.shape_cast %parallel_loop3A_421 : vector<1x16xf32> to vector<16xf32>
        %parallel_loop3A_423 = vector.shape_cast %parallel_loop3A_418 : vector<16xf32> to vector<1x16xf32>
        tpu.vector_store %arg10[%parallel_loop3A_419, %parallel_loop3A_420], %parallel_loop3A_423 {strides = array<i32>} : memref<80x128xf32, #tpu.memory_space<vmem>>, vector<1x16xf32>,
        %parallel_loop3A_424 = arith.index_cast %parallel_loop3A_321 : i32 to index
        %parallel_loop3A_425 = arith.constant 96 : index
        %parallel_loop3A_426 = tpu.vector_load %arg10[%parallel_loop3A_424, %parallel_loop3A_425] {strides = array<i32>} : memref<80x128xf32, #tpu.memory_space<vmem>>, vector<1x16xf32>,
        %parallel_loop3A_427 = vector.shape_cast %parallel_loop3A_426 : vector<1x16xf32> to vector<16xf32>
        %parallel_loop3A_428 = arith.index_cast %parallel_loop3A_321 : i32 to index
        %parallel_loop3A_429 = arith.constant 96 : index
        %parallel_loop3A_430 = tpu.vector_load %arg12[%parallel_loop3A_428, %parallel_loop3A_429] {strides = array<i32>} : memref<80x128xf32, #tpu.memory_space<vmem>>, vector<1x16xf32>,
        %parallel_loop3A_431 = vector.shape_cast %parallel_loop3A_430 : vector<1x16xf32> to vector<16xf32>
        %parallel_loop3A_432 = arith.addf %parallel_loop3A_427, %parallel_loop3A_431 : vector<16xf32>
        %parallel_loop3A_433 = arith.constant 0.000000e+00 : f32
        %parallel_loop3A_434 = vector.broadcast %parallel_loop3A_433 : f32 to vector<16xf32>
        %parallel_loop3A_435 = arith.maximumf %parallel_loop3A_432, %parallel_loop3A_434 : vector<16xf32>
        %parallel_loop3A_436 = arith.index_cast %parallel_loop3A_321 : i32 to index
        %parallel_loop3A_437 = arith.constant 96 : index
        %parallel_loop3A_438 = tpu.vector_load %arg10[%parallel_loop3A_436, %parallel_loop3A_437] {strides = array<i32>} : memref<80x128xf32, #tpu.memory_space<vmem>>, vector<1x16xf32>,
        %parallel_loop3A_439 = vector.shape_cast %parallel_loop3A_438 : vector<1x16xf32> to vector<16xf32>
        %parallel_loop3A_440 = vector.shape_cast %parallel_loop3A_435 : vector<16xf32> to vector<1x16xf32>
        tpu.vector_store %arg10[%parallel_loop3A_436, %parallel_loop3A_437], %parallel_loop3A_440 {strides = array<i32>} : memref<80x128xf32, #tpu.memory_space<vmem>>, vector<1x16xf32>,
        %parallel_loop3A_441 = arith.index_cast %parallel_loop3A_321 : i32 to index
        %parallel_loop3A_442 = arith.constant 112 : index
        %parallel_loop3A_443 = tpu.vector_load %arg10[%parallel_loop3A_441, %parallel_loop3A_442] {strides = array<i32>} : memref<80x128xf32, #tpu.memory_space<vmem>>, vector<1x16xf32>,
        %parallel_loop3A_444 = vector.shape_cast %parallel_loop3A_443 : vector<1x16xf32> to vector<16xf32>
        %parallel_loop3A_445 = arith.index_cast %parallel_loop3A_321 : i32 to index
        %parallel_loop3A_446 = arith.constant 112 : index
        %parallel_loop3A_447 = tpu.vector_load %arg12[%parallel_loop3A_445, %parallel_loop3A_446] {strides = array<i32>} : memref<80x128xf32, #tpu.memory_space<vmem>>, vector<1x16xf32>,
        %parallel_loop3A_448 = vector.shape_cast %parallel_loop3A_447 : vector<1x16xf32> to vector<16xf32>
        %parallel_loop3A_449 = arith.addf %parallel_loop3A_444, %parallel_loop3A_448 : vector<16xf32>
        %parallel_loop3A_450 = arith.constant 0.000000e+00 : f32
        %parallel_loop3A_451 = vector.broadcast %parallel_loop3A_450 : f32 to vector<16xf32>
        %parallel_loop3A_452 = arith.maximumf %parallel_loop3A_449, %parallel_loop3A_451 : vector<16xf32>
        %parallel_loop3A_453 = arith.index_cast %parallel_loop3A_321 : i32 to index
        %parallel_loop3A_454 = arith.constant 112 : index
        %parallel_loop3A_455 = tpu.vector_load %arg10[%parallel_loop3A_453, %parallel_loop3A_454] {strides = array<i32>} : memref<80x128xf32, #tpu.memory_space<vmem>>, vector<1x16xf32>,
        %parallel_loop3A_456 = vector.shape_cast %parallel_loop3A_455 : vector<1x16xf32> to vector<16xf32>
        %parallel_loop3A_457 = vector.shape_cast %parallel_loop3A_452 : vector<16xf32> to vector<1x16xf32>
        tpu.vector_store %arg10[%parallel_loop3A_453, %parallel_loop3A_454], %parallel_loop3A_457 {strides = array<i32>} : memref<80x128xf32, #tpu.memory_space<vmem>>, vector<1x16xf32>,
      } {sc.loop_unroll_factor = 4 : i64, sc.parallel_access}
      %get3A_269 = arith.constant 2 : i32
      %get3A_270 = arith.index_cast %get3A_269 : i32 to index
      %get3A_271 = arith.constant 0 : index
      %get3A_272 = tpu.vector_load %arg8[%get3A_270, %get3A_271] {strides = array<i32>} : memref<3x80xi32, #tpu.memory_space<vmem>>, vector<1x16xi32>,
      %get3A_273 = vector.shape_cast %get3A_272 : vector<1x16xi32> to vector<16xi32>
      %swap3A_274 = arith.constant 0 : index
      %swap3A_275 = tpu.vector_load %arg14[%swap3A_274] {strides = array<i32>} : memref<80xi32, #tpu.memory_space<vmem>>, vector<16xi32>,
      %swap3A_276 = vector.shape_cast %swap3A_275 : vector<16xi32> to vector<16xi32>
      %swap3A_277 = vector.shape_cast %get3A_273 : vector<16xi32> to vector<16xi32>
      tpu.vector_store %arg14[%swap3A_274], %swap3A_277 {strides = array<i32>} : memref<80xi32, #tpu.memory_space<vmem>>, vector<16xi32>,
      %get3A_278 = arith.constant 2 : i32
      %get3A_279 = arith.index_cast %get3A_278 : i32 to index
      %get3A_280 = arith.constant 16 : index
      %get3A_281 = tpu.vector_load %arg8[%get3A_279, %get3A_280] {strides = array<i32>} : memref<3x80xi32, #tpu.memory_space<vmem>>, vector<1x16xi32>,
      %get3A_282 = vector.shape_cast %get3A_281 : vector<1x16xi32> to vector<16xi32>
      %swap3A_283 = arith.constant 16 : index
      %swap3A_284 = tpu.vector_load %arg14[%swap3A_283] {strides = array<i32>} : memref<80xi32, #tpu.memory_space<vmem>>, vector<16xi32>,
      %swap3A_285 = vector.shape_cast %swap3A_284 : vector<16xi32> to vector<16xi32>
      %swap3A_286 = vector.shape_cast %get3A_282 : vector<16xi32> to vector<16xi32>
      tpu.vector_store %arg14[%swap3A_283], %swap3A_286 {strides = array<i32>} : memref<80xi32, #tpu.memory_space<vmem>>, vector<16xi32>,
      %get3A_287 = arith.constant 2 : i32
      %get3A_288 = arith.index_cast %get3A_287 : i32 to index
      %get3A_289 = arith.constant 32 : index
      %get3A_290 = tpu.vector_load %arg8[%get3A_288, %get3A_289] {strides = array<i32>} : memref<3x80xi32, #tpu.memory_space<vmem>>, vector<1x16xi32>,
      %get3A_291 = vector.shape_cast %get3A_290 : vector<1x16xi32> to vector<16xi32>
      %swap3A_292 = arith.constant 32 : index
      %swap3A_293 = tpu.vector_load %arg14[%swap3A_292] {strides = array<i32>} : memref<80xi32, #tpu.memory_space<vmem>>, vector<16xi32>,
      %swap3A_294 = vector.shape_cast %swap3A_293 : vector<16xi32> to vector<16xi32>
      %swap3A_295 = vector.shape_cast %get3A_291 : vector<16xi32> to vector<16xi32>
      tpu.vector_store %arg14[%swap3A_292], %swap3A_295 {strides = array<i32>} : memref<80xi32, #tpu.memory_space<vmem>>, vector<16xi32>,
      %get3A_296 = arith.constant 2 : i32
      %get3A_297 = arith.index_cast %get3A_296 : i32 to index
      %get3A_298 = arith.constant 48 : index
      %get3A_299 = tpu.vector_load %arg8[%get3A_297, %get3A_298] {strides = array<i32>} : memref<3x80xi32, #tpu.memory_space<vmem>>, vector<1x16xi32>,
      %get3A_300 = vector.shape_cast %get3A_299 : vector<1x16xi32> to vector<16xi32>
      %swap3A_301 = arith.constant 48 : index
      %swap3A_302 = tpu.vector_load %arg14[%swap3A_301] {strides = array<i32>} : memref<80xi32, #tpu.memory_space<vmem>>, vector<16xi32>,
      %swap3A_303 = vector.shape_cast %swap3A_302 : vector<16xi32> to vector<16xi32>
      %swap3A_304 = vector.shape_cast %get3A_300 : vector<16xi32> to vector<16xi32>
      tpu.vector_store %arg14[%swap3A_301], %swap3A_304 {strides = array<i32>} : memref<80xi32, #tpu.memory_space<vmem>>, vector<16xi32>,
      %get3A_305 = arith.constant 2 : i32
      %get3A_306 = arith.index_cast %get3A_305 : i32 to index
      %get3A_307 = arith.constant 64 : index
      %get3A_308 = tpu.vector_load %arg8[%get3A_306, %get3A_307] {strides = array<i32>} : memref<3x80xi32, #tpu.memory_space<vmem>>, vector<1x16xi32>,
      %get3A_309 = vector.shape_cast %get3A_308 : vector<1x16xi32> to vector<16xi32>
      %swap3A_310 = arith.constant 64 : index
      %swap3A_311 = tpu.vector_load %arg14[%swap3A_310] {strides = array<i32>} : memref<80xi32, #tpu.memory_space<vmem>>, vector<16xi32>,
      %swap3A_312 = vector.shape_cast %swap3A_311 : vector<16xi32> to vector<16xi32>
      %swap3A_313 = vector.shape_cast %get3A_309 : vector<16xi32> to vector<16xi32>
      tpu.vector_store %arg14[%swap3A_310], %swap3A_313 {strides = array<i32>} : memref<80xi32, #tpu.memory_space<vmem>>, vector<16xi32>,
      %dma_start3A_314 = arith.constant 0 : i32
      %dma_start3A_315 = arith.constant 0 : i32
      %dma_start3A_316 = tpu.memref_slice %arg16[%dma_start3A_314, %dma_start3A_315] : memref<10112x128xf32, #tpu.memory_space<vmem_shared>> -> memref<10112x128xf32, #tpu.memory_space<vmem_shared>>
      tpu.enqueue_indirect_dma source(%arg10 : memref<80x128xf32, #tpu.memory_space<vmem>>) target(%dma_start3A_316 : memref<10112x128xf32, #tpu.memory_space<vmem_shared>>) offsets(%arg14 : memref<80xi32, #tpu.memory_space<vmem>>) semaphore(%arg24 : memref<!tpu.dma_semaphore, #tpu.memory_space<semaphore_mem>>) {add = true}
      %not3A = arith.constant true
      %not3A_317 = arith.xori %eq3A_126, %not3A : i1
      %convert_element_type3A_318 = arith.extui %not3A_317 : i1 to i32
      %cond3A_319 = arith.constant 0 : i32
      %cond3A_320 = arith.cmpi ne, %convert_element_type3A_318, %cond3A_319 : i32
      scf.if %cond3A_320 {
        %add3A_321 = arith.constant 2 : i32
        %add3A_322 = arith.addi %add3A_124, %add3A_321 : i32
        %add3A_323 = arith.addi %mul3A_6, %add3A_322 : i32
        %dma_start3A_324 = arith.constant 0 : i32
        %dma_start3A_325 = arith.constant 0 : i32
        %dma_start3A_326 = tpu.memref_slice %arg3[%add3A_323, %dma_start3A_324, %dma_start3A_325] : memref<4000x3x80xi32, #tpu.memory_space<hbm>> -> memref<1x3x80xi32, #tpu.memory_space<hbm>>
        %dma_start3A_327 = tpu.memref_squeeze %dma_start3A_326 : memref<1x3x80xi32, #tpu.memory_space<hbm>> -> memref<3x80xi32, #tpu.memory_space<hbm>>
        %dma_start3A_328 = arith.constant 0 : i32
        %dma_start3A_329 = arith.constant 0 : i32
        %dma_start3A_330 = tpu.memref_slice %arg3[%add3A_323, %dma_start3A_328, %dma_start3A_329] : memref<4000x3x80xi32, #tpu.memory_space<hbm>> -> memref<1x3x80xi32, #tpu.memory_space<hbm>>
        %dma_start3A_331 = tpu.memref_squeeze %dma_start3A_330 : memref<1x3x80xi32, #tpu.memory_space<hbm>> -> memref<3x80xi32, #tpu.memory_space<hbm>>
        tpu.enqueue_dma source(%dma_start3A_331 : memref<3x80xi32, #tpu.memory_space<hbm>>) target(%arg8 : memref<3x80xi32, #tpu.memory_space<vmem>>) target_semaphore(%arg18 : memref<!tpu.dma_semaphore, #tpu.memory_space<semaphore_mem>>)
      } else {
      }
    }
    %scan3A_52 = arith.constant 62 : i32
    %dma_wait3A_53 = arith.constant 0 : i32
    %dma_wait3A_54 = arith.constant 0 : i32
    %dma_wait3A_55 = tpu.memref_slice %arg16[%dma_wait3A_53, %dma_wait3A_54] : memref<10112x128xf32, #tpu.memory_space<vmem_shared>> -> memref<10112x128xf32, #tpu.memory_space<vmem_shared>>
    tpu.wait_indirect_dma semaphore(%arg24 : memref<!tpu.dma_semaphore, #tpu.memory_space<semaphore_mem>>) src(%arg10 : memref<80x128xf32, #tpu.memory_space<vmem>>) dst(%dma_wait3A_55 : memref<10112x128xf32, #tpu.memory_space<vmem_shared>>)
    %dma_wait3A_56 = arith.constant 0 : i32
    %dma_wait3A_57 = arith.constant 0 : i32
    %dma_wait3A_58 = tpu.memref_slice %arg2[%dma_wait3A_56, %dma_wait3A_57] : memref<10000x128xf32, #tpu.memory_space<hbm>> -> memref<80x128xf32, #tpu.memory_space<hbm>>
    %dma_wait3A_59 = arith.constant 0 : i32
    %dma_wait3A_60 = arith.constant 0 : i32
    %dma_wait3A_61 = tpu.memref_slice %arg2[%dma_wait3A_59, %dma_wait3A_60] : memref<10000x128xf32, #tpu.memory_space<hbm>> -> memref<80x128xf32, #tpu.memory_space<hbm>>
    tpu.wait_dma2 semaphore(%arg19 : memref<!tpu.dma_semaphore, #tpu.memory_space<semaphore_mem>>) src(%dma_wait3A_61 : memref<80x128xf32, #tpu.memory_space<hbm>>) dst(%arg9 : memref<80x128xf32, #tpu.memory_space<vmem>>)
    %dma_wait3A_62 = arith.constant 0 : i32
    %dma_wait3A_63 = arith.constant 0 : i32
    %dma_wait3A_64 = tpu.memref_slice %arg4[%dma_wait3A_62, %dma_wait3A_63] : memref<64x128xf32, #tpu.memory_space<hbm>> -> memref<80x128xf32, #tpu.memory_space<hbm>>
    %dma_wait3A_65 = arith.constant 0 : i32
    %dma_wait3A_66 = arith.constant 0 : i32
    %dma_wait3A_67 = tpu.memref_slice %arg4[%dma_wait3A_65, %dma_wait3A_66] : memref<64x128xf32, #tpu.memory_space<hbm>> -> memref<80x128xf32, #tpu.memory_space<hbm>>
    tpu.wait_dma2 semaphore(%arg21 : memref<!tpu.dma_semaphore, #tpu.memory_space<semaphore_mem>>) src(%dma_wait3A_67 : memref<80x128xf32, #tpu.memory_space<hbm>>) dst(%arg11 : memref<80x128xf32, #tpu.memory_space<vmem>>)
    %parallel_loop3A = arith.constant 0 : i32
    %parallel_loop3A_68 = arith.constant 80 : i32
    %parallel_loop3A_69 = arith.constant 1 : i32
    scf.for %parallel_loop3A_120 = %parallel_loop3A to %parallel_loop3A_68 step %parallel_loop3A_69  : i32 {
      %parallel_loop3A_121 = arith.index_cast %parallel_loop3A_120 : i32 to index
      %parallel_loop3A_122 = arith.constant 0 : index
      %parallel_loop3A_123 = tpu.vector_load %arg9[%parallel_loop3A_121, %parallel_loop3A_122] {strides = array<i32>} : memref<80x128xf32, #tpu.memory_space<vmem>>, vector<1x16xf32>,
      %parallel_loop3A_124 = vector.shape_cast %parallel_loop3A_123 : vector<1x16xf32> to vector<16xf32>
      %parallel_loop3A_125 = arith.index_cast %parallel_loop3A_120 : i32 to index
      %parallel_loop3A_126 = arith.constant 0 : index
      %parallel_loop3A_127 = tpu.vector_load %arg11[%parallel_loop3A_125, %parallel_loop3A_126] {strides = array<i32>} : memref<80x128xf32, #tpu.memory_space<vmem>>, vector<1x16xf32>,
      %parallel_loop3A_128 = vector.shape_cast %parallel_loop3A_127 : vector<1x16xf32> to vector<16xf32>
      %parallel_loop3A_129 = arith.addf %parallel_loop3A_124, %parallel_loop3A_128 : vector<16xf32>
      %parallel_loop3A_130 = arith.constant 0.000000e+00 : f32
      %parallel_loop3A_131 = vector.broadcast %parallel_loop3A_130 : f32 to vector<16xf32>
      %parallel_loop3A_132 = arith.maximumf %parallel_loop3A_129, %parallel_loop3A_131 : vector<16xf32>
      %parallel_loop3A_133 = arith.index_cast %parallel_loop3A_120 : i32 to index
      %parallel_loop3A_134 = arith.constant 0 : index
      %parallel_loop3A_135 = tpu.vector_load %arg9[%parallel_loop3A_133, %parallel_loop3A_134] {strides = array<i32>} : memref<80x128xf32, #tpu.memory_space<vmem>>, vector<1x16xf32>,
      %parallel_loop3A_136 = vector.shape_cast %parallel_loop3A_135 : vector<1x16xf32> to vector<16xf32>
      %parallel_loop3A_137 = vector.shape_cast %parallel_loop3A_132 : vector<16xf32> to vector<1x16xf32>
      tpu.vector_store %arg9[%parallel_loop3A_133, %parallel_loop3A_134], %parallel_loop3A_137 {strides = array<i32>} : memref<80x128xf32, #tpu.memory_space<vmem>>, vector<1x16xf32>,
      %parallel_loop3A_138 = arith.index_cast %parallel_loop3A_120 : i32 to index
      %parallel_loop3A_139 = arith.constant 16 : index
      %parallel_loop3A_140 = tpu.vector_load %arg9[%parallel_loop3A_138, %parallel_loop3A_139] {strides = array<i32>} : memref<80x128xf32, #tpu.memory_space<vmem>>, vector<1x16xf32>,
      %parallel_loop3A_141 = vector.shape_cast %parallel_loop3A_140 : vector<1x16xf32> to vector<16xf32>
      %parallel_loop3A_142 = arith.index_cast %parallel_loop3A_120 : i32 to index
      %parallel_loop3A_143 = arith.constant 16 : index
      %parallel_loop3A_144 = tpu.vector_load %arg11[%parallel_loop3A_142, %parallel_loop3A_143] {strides = array<i32>} : memref<80x128xf32, #tpu.memory_space<vmem>>, vector<1x16xf32>,
      %parallel_loop3A_145 = vector.shape_cast %parallel_loop3A_144 : vector<1x16xf32> to vector<16xf32>
      %parallel_loop3A_146 = arith.addf %parallel_loop3A_141, %parallel_loop3A_145 : vector<16xf32>
      %parallel_loop3A_147 = arith.constant 0.000000e+00 : f32
      %parallel_loop3A_148 = vector.broadcast %parallel_loop3A_147 : f32 to vector<16xf32>
      %parallel_loop3A_149 = arith.maximumf %parallel_loop3A_146, %parallel_loop3A_148 : vector<16xf32>
      %parallel_loop3A_150 = arith.index_cast %parallel_loop3A_120 : i32 to index
      %parallel_loop3A_151 = arith.constant 16 : index
      %parallel_loop3A_152 = tpu.vector_load %arg9[%parallel_loop3A_150, %parallel_loop3A_151] {strides = array<i32>} : memref<80x128xf32, #tpu.memory_space<vmem>>, vector<1x16xf32>,
      %parallel_loop3A_153 = vector.shape_cast %parallel_loop3A_152 : vector<1x16xf32> to vector<16xf32>
      %parallel_loop3A_154 = vector.shape_cast %parallel_loop3A_149 : vector<16xf32> to vector<1x16xf32>
      tpu.vector_store %arg9[%parallel_loop3A_150, %parallel_loop3A_151], %parallel_loop3A_154 {strides = array<i32>} : memref<80x128xf32, #tpu.memory_space<vmem>>, vector<1x16xf32>,
      %parallel_loop3A_155 = arith.index_cast %parallel_loop3A_120 : i32 to index
      %parallel_loop3A_156 = arith.constant 32 : index
      %parallel_loop3A_157 = tpu.vector_load %arg9[%parallel_loop3A_155, %parallel_loop3A_156] {strides = array<i32>} : memref<80x128xf32, #tpu.memory_space<vmem>>, vector<1x16xf32>,
      %parallel_loop3A_158 = vector.shape_cast %parallel_loop3A_157 : vector<1x16xf32> to vector<16xf32>
      %parallel_loop3A_159 = arith.index_cast %parallel_loop3A_120 : i32 to index
      %parallel_loop3A_160 = arith.constant 32 : index
      %parallel_loop3A_161 = tpu.vector_load %arg11[%parallel_loop3A_159, %parallel_loop3A_160] {strides = array<i32>} : memref<80x128xf32, #tpu.memory_space<vmem>>, vector<1x16xf32>,
      %parallel_loop3A_162 = vector.shape_cast %parallel_loop3A_161 : vector<1x16xf32> to vector<16xf32>
      %parallel_loop3A_163 = arith.addf %parallel_loop3A_158, %parallel_loop3A_162 : vector<16xf32>
      %parallel_loop3A_164 = arith.constant 0.000000e+00 : f32
      %parallel_loop3A_165 = vector.broadcast %parallel_loop3A_164 : f32 to vector<16xf32>
      %parallel_loop3A_166 = arith.maximumf %parallel_loop3A_163, %parallel_loop3A_165 : vector<16xf32>
      %parallel_loop3A_167 = arith.index_cast %parallel_loop3A_120 : i32 to index
      %parallel_loop3A_168 = arith.constant 32 : index
      %parallel_loop3A_169 = tpu.vector_load %arg9[%parallel_loop3A_167, %parallel_loop3A_168] {strides = array<i32>} : memref<80x128xf32, #tpu.memory_space<vmem>>, vector<1x16xf32>,
      %parallel_loop3A_170 = vector.shape_cast %parallel_loop3A_169 : vector<1x16xf32> to vector<16xf32>
      %parallel_loop3A_171 = vector.shape_cast %parallel_loop3A_166 : vector<16xf32> to vector<1x16xf32>
      tpu.vector_store %arg9[%parallel_loop3A_167, %parallel_loop3A_168], %parallel_loop3A_171 {strides = array<i32>} : memref<80x128xf32, #tpu.memory_space<vmem>>, vector<1x16xf32>,
      %parallel_loop3A_172 = arith.index_cast %parallel_loop3A_120 : i32 to index
      %parallel_loop3A_173 = arith.constant 48 : index
      %parallel_loop3A_174 = tpu.vector_load %arg9[%parallel_loop3A_172, %parallel_loop3A_173] {strides = array<i32>} : memref<80x128xf32, #tpu.memory_space<vmem>>, vector<1x16xf32>,
      %parallel_loop3A_175 = vector.shape_cast %parallel_loop3A_174 : vector<1x16xf32> to vector<16xf32>
      %parallel_loop3A_176 = arith.index_cast %parallel_loop3A_120 : i32 to index
      %parallel_loop3A_177 = arith.constant 48 : index
      %parallel_loop3A_178 = tpu.vector_load %arg11[%parallel_loop3A_176, %parallel_loop3A_177] {strides = array<i32>} : memref<80x128xf32, #tpu.memory_space<vmem>>, vector<1x16xf32>,
      %parallel_loop3A_179 = vector.shape_cast %parallel_loop3A_178 : vector<1x16xf32> to vector<16xf32>
      %parallel_loop3A_180 = arith.addf %parallel_loop3A_175, %parallel_loop3A_179 : vector<16xf32>
      %parallel_loop3A_181 = arith.constant 0.000000e+00 : f32
      %parallel_loop3A_182 = vector.broadcast %parallel_loop3A_181 : f32 to vector<16xf32>
      %parallel_loop3A_183 = arith.maximumf %parallel_loop3A_180, %parallel_loop3A_182 : vector<16xf32>
      %parallel_loop3A_184 = arith.index_cast %parallel_loop3A_120 : i32 to index
      %parallel_loop3A_185 = arith.constant 48 : index
      %parallel_loop3A_186 = tpu.vector_load %arg9[%parallel_loop3A_184, %parallel_loop3A_185] {strides = array<i32>} : memref<80x128xf32, #tpu.memory_space<vmem>>, vector<1x16xf32>,
      %parallel_loop3A_187 = vector.shape_cast %parallel_loop3A_186 : vector<1x16xf32> to vector<16xf32>
      %parallel_loop3A_188 = vector.shape_cast %parallel_loop3A_183 : vector<16xf32> to vector<1x16xf32>
      tpu.vector_store %arg9[%parallel_loop3A_184, %parallel_loop3A_185], %parallel_loop3A_188 {strides = array<i32>} : memref<80x128xf32, #tpu.memory_space<vmem>>, vector<1x16xf32>,
      %parallel_loop3A_189 = arith.index_cast %parallel_loop3A_120 : i32 to index
      %parallel_loop3A_190 = arith.constant 64 : index
      %parallel_loop3A_191 = tpu.vector_load %arg9[%parallel_loop3A_189, %parallel_loop3A_190] {strides = array<i32>} : memref<80x128xf32, #tpu.memory_space<vmem>>, vector<1x16xf32>,
      %parallel_loop3A_192 = vector.shape_cast %parallel_loop3A_191 : vector<1x16xf32> to vector<16xf32>
      %parallel_loop3A_193 = arith.index_cast %parallel_loop3A_120 : i32 to index
      %parallel_loop3A_194 = arith.constant 64 : index
      %parallel_loop3A_195 = tpu.vector_load %arg11[%parallel_loop3A_193, %parallel_loop3A_194] {strides = array<i32>} : memref<80x128xf32, #tpu.memory_space<vmem>>, vector<1x16xf32>,
      %parallel_loop3A_196 = vector.shape_cast %parallel_loop3A_195 : vector<1x16xf32> to vector<16xf32>
      %parallel_loop3A_197 = arith.addf %parallel_loop3A_192, %parallel_loop3A_196 : vector<16xf32>
      %parallel_loop3A_198 = arith.constant 0.000000e+00 : f32
      %parallel_loop3A_199 = vector.broadcast %parallel_loop3A_198 : f32 to vector<16xf32>
      %parallel_loop3A_200 = arith.maximumf %parallel_loop3A_197, %parallel_loop3A_199 : vector<16xf32>
      %parallel_loop3A_201 = arith.index_cast %parallel_loop3A_120 : i32 to index
      %parallel_loop3A_202 = arith.constant 64 : index
      %parallel_loop3A_203 = tpu.vector_load %arg9[%parallel_loop3A_201, %parallel_loop3A_202] {strides = array<i32>} : memref<80x128xf32, #tpu.memory_space<vmem>>, vector<1x16xf32>,
      %parallel_loop3A_204 = vector.shape_cast %parallel_loop3A_203 : vector<1x16xf32> to vector<16xf32>
      %parallel_loop3A_205 = vector.shape_cast %parallel_loop3A_200 : vector<16xf32> to vector<1x16xf32>
      tpu.vector_store %arg9[%parallel_loop3A_201, %parallel_loop3A_202], %parallel_loop3A_205 {strides = array<i32>} : memref<80x128xf32, #tpu.memory_space<vmem>>, vector<1x16xf32>,
      %parallel_loop3A_206 = arith.index_cast %parallel_loop3A_120 : i32 to index
      %parallel_loop3A_207 = arith.constant 80 : index
      %parallel_loop3A_208 = tpu.vector_load %arg9[%parallel_loop3A_206, %parallel_loop3A_207] {strides = array<i32>} : memref<80x128xf32, #tpu.memory_space<vmem>>, vector<1x16xf32>,
      %parallel_loop3A_209 = vector.shape_cast %parallel_loop3A_208 : vector<1x16xf32> to vector<16xf32>
      %parallel_loop3A_210 = arith.index_cast %parallel_loop3A_120 : i32 to index
      %parallel_loop3A_211 = arith.constant 80 : index
      %parallel_loop3A_212 = tpu.vector_load %arg11[%parallel_loop3A_210, %parallel_loop3A_211] {strides = array<i32>} : memref<80x128xf32, #tpu.memory_space<vmem>>, vector<1x16xf32>,
      %parallel_loop3A_213 = vector.shape_cast %parallel_loop3A_212 : vector<1x16xf32> to vector<16xf32>
      %parallel_loop3A_214 = arith.addf %parallel_loop3A_209, %parallel_loop3A_213 : vector<16xf32>
      %parallel_loop3A_215 = arith.constant 0.000000e+00 : f32
      %parallel_loop3A_216 = vector.broadcast %parallel_loop3A_215 : f32 to vector<16xf32>
      %parallel_loop3A_217 = arith.maximumf %parallel_loop3A_214, %parallel_loop3A_216 : vector<16xf32>
      %parallel_loop3A_218 = arith.index_cast %parallel_loop3A_120 : i32 to index
      %parallel_loop3A_219 = arith.constant 80 : index
      %parallel_loop3A_220 = tpu.vector_load %arg9[%parallel_loop3A_218, %parallel_loop3A_219] {strides = array<i32>} : memref<80x128xf32, #tpu.memory_space<vmem>>, vector<1x16xf32>,
      %parallel_loop3A_221 = vector.shape_cast %parallel_loop3A_220 : vector<1x16xf32> to vector<16xf32>
      %parallel_loop3A_222 = vector.shape_cast %parallel_loop3A_217 : vector<16xf32> to vector<1x16xf32>
      tpu.vector_store %arg9[%parallel_loop3A_218, %parallel_loop3A_219], %parallel_loop3A_222 {strides = array<i32>} : memref<80x128xf32, #tpu.memory_space<vmem>>, vector<1x16xf32>,
      %parallel_loop3A_223 = arith.index_cast %parallel_loop3A_120 : i32 to index
      %parallel_loop3A_224 = arith.constant 96 : index
      %parallel_loop3A_225 = tpu.vector_load %arg9[%parallel_loop3A_223, %parallel_loop3A_224] {strides = array<i32>} : memref<80x128xf32, #tpu.memory_space<vmem>>, vector<1x16xf32>,
      %parallel_loop3A_226 = vector.shape_cast %parallel_loop3A_225 : vector<1x16xf32> to vector<16xf32>
      %parallel_loop3A_227 = arith.index_cast %parallel_loop3A_120 : i32 to index
      %parallel_loop3A_228 = arith.constant 96 : index
      %parallel_loop3A_229 = tpu.vector_load %arg11[%parallel_loop3A_227, %parallel_loop3A_228] {strides = array<i32>} : memref<80x128xf32, #tpu.memory_space<vmem>>, vector<1x16xf32>,
      %parallel_loop3A_230 = vector.shape_cast %parallel_loop3A_229 : vector<1x16xf32> to vector<16xf32>
      %parallel_loop3A_231 = arith.addf %parallel_loop3A_226, %parallel_loop3A_230 : vector<16xf32>
      %parallel_loop3A_232 = arith.constant 0.000000e+00 : f32
      %parallel_loop3A_233 = vector.broadcast %parallel_loop3A_232 : f32 to vector<16xf32>
      %parallel_loop3A_234 = arith.maximumf %parallel_loop3A_231, %parallel_loop3A_233 : vector<16xf32>
      %parallel_loop3A_235 = arith.index_cast %parallel_loop3A_120 : i32 to index
      %parallel_loop3A_236 = arith.constant 96 : index
      %parallel_loop3A_237 = tpu.vector_load %arg9[%parallel_loop3A_235, %parallel_loop3A_236] {strides = array<i32>} : memref<80x128xf32, #tpu.memory_space<vmem>>, vector<1x16xf32>,
      %parallel_loop3A_238 = vector.shape_cast %parallel_loop3A_237 : vector<1x16xf32> to vector<16xf32>
      %parallel_loop3A_239 = vector.shape_cast %parallel_loop3A_234 : vector<16xf32> to vector<1x16xf32>
      tpu.vector_store %arg9[%parallel_loop3A_235, %parallel_loop3A_236], %parallel_loop3A_239 {strides = array<i32>} : memref<80x128xf32, #tpu.memory_space<vmem>>, vector<1x16xf32>,
      %parallel_loop3A_240 = arith.index_cast %parallel_loop3A_120 : i32 to index
      %parallel_loop3A_241 = arith.constant 112 : index
      %parallel_loop3A_242 = tpu.vector_load %arg9[%parallel_loop3A_240, %parallel_loop3A_241] {strides = array<i32>} : memref<80x128xf32, #tpu.memory_space<vmem>>, vector<1x16xf32>,
      %parallel_loop3A_243 = vector.shape_cast %parallel_loop3A_242 : vector<1x16xf32> to vector<16xf32>
      %parallel_loop3A_244 = arith.index_cast %parallel_loop3A_120 : i32 to index
      %parallel_loop3A_245 = arith.constant 112 : index
      %parallel_loop3A_246 = tpu.vector_load %arg11[%parallel_loop3A_244, %parallel_loop3A_245] {strides = array<i32>} : memref<80x128xf32, #tpu.memory_space<vmem>>, vector<1x16xf32>,
      %parallel_loop3A_247 = vector.shape_cast %parallel_loop3A_246 : vector<1x16xf32> to vector<16xf32>
      %parallel_loop3A_248 = arith.addf %parallel_loop3A_243, %parallel_loop3A_247 : vector<16xf32>
      %parallel_loop3A_249 = arith.constant 0.000000e+00 : f32
      %parallel_loop3A_250 = vector.broadcast %parallel_loop3A_249 : f32 to vector<16xf32>
      %parallel_loop3A_251 = arith.maximumf %parallel_loop3A_248, %parallel_loop3A_250 : vector<16xf32>
      %parallel_loop3A_252 = arith.index_cast %parallel_loop3A_120 : i32 to index
      %parallel_loop3A_253 = arith.constant 112 : index
      %parallel_loop3A_254 = tpu.vector_load %arg9[%parallel_loop3A_252, %parallel_loop3A_253] {strides = array<i32>} : memref<80x128xf32, #tpu.memory_space<vmem>>, vector<1x16xf32>,
      %parallel_loop3A_255 = vector.shape_cast %parallel_loop3A_254 : vector<1x16xf32> to vector<16xf32>
      %parallel_loop3A_256 = vector.shape_cast %parallel_loop3A_251 : vector<16xf32> to vector<1x16xf32>
      tpu.vector_store %arg9[%parallel_loop3A_252, %parallel_loop3A_253], %parallel_loop3A_256 {strides = array<i32>} : memref<80x128xf32, #tpu.memory_space<vmem>>, vector<1x16xf32>,
    } {sc.loop_unroll_factor = 4 : i64, sc.parallel_access}
    %get3A = arith.constant 2 : i32
    %get3A_70 = arith.index_cast %get3A : i32 to index
    %get3A_71 = arith.constant 0 : index
    %get3A_72 = tpu.vector_load %arg7[%get3A_70, %get3A_71] {strides = array<i32>} : memref<3x80xi32, #tpu.memory_space<vmem>>, vector<1x16xi32>,
    %get3A_73 = vector.shape_cast %get3A_72 : vector<1x16xi32> to vector<16xi32>
    %swap3A = arith.constant 0 : index
    %swap3A_74 = tpu.vector_load %arg13[%swap3A] {strides = array<i32>} : memref<80xi32, #tpu.memory_space<vmem>>, vector<16xi32>,
    %swap3A_75 = vector.shape_cast %swap3A_74 : vector<16xi32> to vector<16xi32>
    %swap3A_76 = vector.shape_cast %get3A_73 : vector<16xi32> to vector<16xi32>
    tpu.vector_store %arg13[%swap3A], %swap3A_76 {strides = array<i32>} : memref<80xi32, #tpu.memory_space<vmem>>, vector<16xi32>,
    %get3A_77 = arith.constant 2 : i32
    %get3A_78 = arith.index_cast %get3A_77 : i32 to index
    %get3A_79 = arith.constant 16 : index
    %get3A_80 = tpu.vector_load %arg7[%get3A_78, %get3A_79] {strides = array<i32>} : memref<3x80xi32, #tpu.memory_space<vmem>>, vector<1x16xi32>,
    %get3A_81 = vector.shape_cast %get3A_80 : vector<1x16xi32> to vector<16xi32>
    %swap3A_82 = arith.constant 16 : index
    %swap3A_83 = tpu.vector_load %arg13[%swap3A_82] {strides = array<i32>} : memref<80xi32, #tpu.memory_space<vmem>>, vector<16xi32>,
    %swap3A_84 = vector.shape_cast %swap3A_83 : vector<16xi32> to vector<16xi32>
    %swap3A_85 = vector.shape_cast %get3A_81 : vector<16xi32> to vector<16xi32>
    tpu.vector_store %arg13[%swap3A_82], %swap3A_85 {strides = array<i32>} : memref<80xi32, #tpu.memory_space<vmem>>, vector<16xi32>,
    %get3A_86 = arith.constant 2 : i32
    %get3A_87 = arith.index_cast %get3A_86 : i32 to index
    %get3A_88 = arith.constant 32 : index
    %get3A_89 = tpu.vector_load %arg7[%get3A_87, %get3A_88] {strides = array<i32>} : memref<3x80xi32, #tpu.memory_space<vmem>>, vector<1x16xi32>,
    %get3A_90 = vector.shape_cast %get3A_89 : vector<1x16xi32> to vector<16xi32>
    %swap3A_91 = arith.constant 32 : index
    %swap3A_92 = tpu.vector_load %arg13[%swap3A_91] {strides = array<i32>} : memref<80xi32, #tpu.memory_space<vmem>>, vector<16xi32>,
    %swap3A_93 = vector.shape_cast %swap3A_92 : vector<16xi32> to vector<16xi32>
    %swap3A_94 = vector.shape_cast %get3A_90 : vector<16xi32> to vector<16xi32>
    tpu.vector_store %arg13[%swap3A_91], %swap3A_94 {strides = array<i32>} : memref<80xi32, #tpu.memory_space<vmem>>, vector<16xi32>,
    %get3A_95 = arith.constant 2 : i32
    %get3A_96 = arith.index_cast %get3A_95 : i32 to index
    %get3A_97 = arith.constant 48 : index
    %get3A_98 = tpu.vector_load %arg7[%get3A_96, %get3A_97] {strides = array<i32>} : memref<3x80xi32, #tpu.memory_space<vmem>>, vector<1x16xi32>,
    %get3A_99 = vector.shape_cast %get3A_98 : vector<1x16xi32> to vector<16xi32>
    %swap3A_100 = arith.constant 48 : index
    %swap3A_101 = tpu.vector_load %arg13[%swap3A_100] {strides = array<i32>} : memref<80xi32, #tpu.memory_space<vmem>>, vector<16xi32>,
    %swap3A_102 = vector.shape_cast %swap3A_101 : vector<16xi32> to vector<16xi32>
    %swap3A_103 = vector.shape_cast %get3A_99 : vector<16xi32> to vector<16xi32>
    tpu.vector_store %arg13[%swap3A_100], %swap3A_103 {strides = array<i32>} : memref<80xi32, #tpu.memory_space<vmem>>, vector<16xi32>,
    %get3A_104 = arith.constant 2 : i32
    %get3A_105 = arith.index_cast %get3A_104 : i32 to index
    %get3A_106 = arith.constant 64 : index
    %get3A_107 = tpu.vector_load %arg7[%get3A_105, %get3A_106] {strides = array<i32>} : memref<3x80xi32, #tpu.memory_space<vmem>>, vector<1x16xi32>,
    %get3A_108 = vector.shape_cast %get3A_107 : vector<1x16xi32> to vector<16xi32>
    %swap3A_109 = arith.constant 64 : index
    %swap3A_110 = tpu.vector_load %arg13[%swap3A_109] {strides = array<i32>} : memref<80xi32, #tpu.memory_space<vmem>>, vector<16xi32>,
    %swap3A_111 = vector.shape_cast %swap3A_110 : vector<16xi32> to vector<16xi32>
    %swap3A_112 = vector.shape_cast %get3A_108 : vector<16xi32> to vector<16xi32>
    tpu.vector_store %arg13[%swap3A_109], %swap3A_112 {strides = array<i32>} : memref<80xi32, #tpu.memory_space<vmem>>, vector<16xi32>,
    %dma_start3A_113 = arith.constant 0 : i32
    %dma_start3A_114 = arith.constant 0 : i32
    %dma_start3A_115 = tpu.memref_slice %arg16[%dma_start3A_113, %dma_start3A_114] : memref<10112x128xf32, #tpu.memory_space<vmem_shared>> -> memref<10112x128xf32, #tpu.memory_space<vmem_shared>>
    tpu.enqueue_indirect_dma source(%arg9 : memref<80x128xf32, #tpu.memory_space<vmem>>) target(%dma_start3A_115 : memref<10112x128xf32, #tpu.memory_space<vmem_shared>>) offsets(%arg13 : memref<80xi32, #tpu.memory_space<vmem>>) semaphore(%arg23 : memref<!tpu.dma_semaphore, #tpu.memory_space<semaphore_mem>>) {add = true}
    %dma_wait3A_116 = arith.constant 0 : i32
    %dma_wait3A_117 = arith.constant 0 : i32
    %dma_wait3A_118 = tpu.memref_slice %arg16[%dma_wait3A_116, %dma_wait3A_117] : memref<10112x128xf32, #tpu.memory_space<vmem_shared>> -> memref<10112x128xf32, #tpu.memory_space<vmem_shared>>
    tpu.wait_indirect_dma semaphore(%arg23 : memref<!tpu.dma_semaphore, #tpu.memory_space<semaphore_mem>>) src(%arg9 : memref<80x128xf32, #tpu.memory_space<vmem>>) dst(%dma_wait3A_118 : memref<10112x128xf32, #tpu.memory_space<vmem_shared>>)
    %barrier3A_119 = arith.constant 0 : index
    tpu.barrier barrier_id(%barrier3A_119)
    "tpu.region"() ({
      %run_scoped3A = tpu.sem_alloc : memref<!tpu.dma_semaphore, #tpu.memory_space<semaphore_mem>>
      %dma_start3A_120 = arith.constant 0 : i32
      %dma_start3A_121 = tpu.memref_slice %arg6[%arg0, %mul3A_2, %dma_start3A_120] : memref<2x10112x128xf32, #tpu.memory_space<hbm>> -> memref<1x632x128xf32, #tpu.memory_space<hbm>>
      %dma_start3A_122 = tpu.memref_squeeze %dma_start3A_121 : memref<1x632x128xf32, #tpu.memory_space<hbm>> -> memref<632x128xf32, #tpu.memory_space<hbm>>
      %dma_start3A_123 = arith.constant 0 : i32
      %dma_start3A_124 = tpu.memref_slice %arg16[%mul3A_2, %dma_start3A_123] : memref<10112x128xf32, #tpu.memory_space<vmem_shared>> -> memref<632x128xf32, #tpu.memory_space<vmem_shared>>
      tpu.enqueue_dma source(%dma_start3A_124 : memref<632x128xf32, #tpu.memory_space<vmem_shared>>) target(%dma_start3A_122 : memref<632x128xf32, #tpu.memory_space<hbm>>) target_semaphore(%run_scoped3A : memref<!tpu.dma_semaphore, #tpu.memory_space<semaphore_mem>>)
      %dma_wait3A_125 = arith.constant 0 : i32
      %dma_wait3A_126 = tpu.memref_slice %arg6[%arg0, %mul3A_2, %dma_wait3A_125] : memref<2x10112x128xf32, #tpu.memory_space<hbm>> -> memref<1x632x128xf32, #tpu.memory_space<hbm>>
      %dma_wait3A_127 = tpu.memref_squeeze %dma_wait3A_126 : memref<1x632x128xf32, #tpu.memory_space<hbm>> -> memref<632x128xf32, #tpu.memory_space<hbm>>
      %dma_wait3A_128 = arith.constant 0 : i32
      %dma_wait3A_129 = tpu.memref_slice %arg16[%mul3A_2, %dma_wait3A_128] : memref<10112x128xf32, #tpu.memory_space<vmem_shared>> -> memref<632x128xf32, #tpu.memory_space<vmem_shared>>
      tpu.wait_dma2 semaphore(%run_scoped3A : memref<!tpu.dma_semaphore, #tpu.memory_space<semaphore_mem>>) src(%dma_wait3A_129 : memref<632x128xf32, #tpu.memory_space<vmem_shared>>) dst(%dma_wait3A_127 : memref<632x128xf32, #tpu.memory_space<hbm>>)
      tpu.yield
    }) : () -> ()
    return
  }
}

module attributes {stable_mosaic.version = 14 : i64} {
  func.func @_ct_body(%arg0: memref<3x8x128xf32, #tpu.memory_space<vmem>>, %arg1: memref<64x128xf32, #tpu.memory_space<vmem>>) attributes {dimension_semantics = [], scalar_prefetch = 0 : i64, scratch_operands = 0 : i64, tpu.core_type = #tpu.core_type<tc>} {
    %get3A = arith.constant 0 : index
    %get3A_0 = arith.constant 0 : index
    %get3A_1 = arith.constant 0 : index
    %get3A_2 = vector.load %arg0[%get3A, %get3A_0, %get3A_1] : memref<3x8x128xf32, #tpu.memory_space<vmem>>, vector<1x4x128xf32>
    %get3A_3 = vector.shape_cast %get3A_2 : vector<1x4x128xf32> to vector<4x128xf32>
    %get3A_4 = arith.constant 1 : index
    %get3A_5 = arith.constant 0 : index
    %get3A_6 = arith.constant 0 : index
    %get3A_7 = vector.load %arg0[%get3A_4, %get3A_5, %get3A_6] : memref<3x8x128xf32, #tpu.memory_space<vmem>>, vector<1x4x128xf32>
    %get3A_8 = vector.shape_cast %get3A_7 : vector<1x4x128xf32> to vector<4x128xf32>
    %get3A_9 = arith.constant 2 : index
    %get3A_10 = arith.constant 0 : index
    %get3A_11 = arith.constant 0 : index
    %get3A_12 = vector.load %arg0[%get3A_9, %get3A_10, %get3A_11] : memref<3x8x128xf32, #tpu.memory_space<vmem>>, vector<1x4x128xf32>
    %get3A_13 = vector.shape_cast %get3A_12 : vector<1x4x128xf32> to vector<4x128xf32>
    %broadcast_in_dim3A = vector.shape_cast %get3A_3 : vector<4x128xf32> to vector<4x1x128xf32>
    %broadcast_in_dim3A_14 = vector.broadcast %broadcast_in_dim3A : vector<4x1x128xf32> to vector<4x16x128xf32>
    %reshape3A = vector.shape_cast %broadcast_in_dim3A_14 : vector<4x16x128xf32> to vector<64x128xf32>
    %broadcast_in_dim3A_15 = vector.shape_cast %get3A_8 : vector<4x128xf32> to vector<4x1x128xf32>
    %broadcast_in_dim3A_16 = vector.broadcast %broadcast_in_dim3A_15 : vector<4x1x128xf32> to vector<4x4x128xf32>
    %reshape3A_17 = vector.shape_cast %broadcast_in_dim3A_16 : vector<4x4x128xf32> to vector<16x128xf32>
    %tile3A = tpu.concatenate %reshape3A_17, %reshape3A_17, %reshape3A_17, %reshape3A_17 in 0 : vector<16x128xf32>, vector<16x128xf32>, vector<16x128xf32>, vector<16x128xf32> -> vector<64x128xf32>
    %tile3A_18 = tpu.concatenate %get3A_13, %get3A_13, %get3A_13, %get3A_13, %get3A_13, %get3A_13, %get3A_13, %get3A_13, %get3A_13, %get3A_13, %get3A_13, %get3A_13, %get3A_13, %get3A_13, %get3A_13, %get3A_13 in 0 : vector<4x128xf32>, vector<4x128xf32>, vector<4x128xf32>, vector<4x128xf32>, vector<4x128xf32>, vector<4x128xf32>, vector<4x128xf32>, vector<4x128xf32>, vector<4x128xf32>, vector<4x128xf32>, vector<4x128xf32>, vector<4x128xf32>, vector<4x128xf32>, vector<4x128xf32>, vector<4x128xf32>, vector<4x128xf32> -> vector<64x128xf32>
    %add3A = arith.addf %reshape3A, %tile3A : vector<64x128xf32>
    %add3A_19 = arith.addf %add3A, %tile3A_18 : vector<64x128xf32>
    %swap3A = arith.constant 0 : index
    %swap3A_20 = arith.constant 0 : index
    %swap3A_21 = vector.load %arg1[%swap3A, %swap3A_20] : memref<64x128xf32, #tpu.memory_space<vmem>>, vector<64x128xf32>
    tpu.vector_store %arg1[%swap3A, %swap3A_20], %add3A_19 {strides = array<i32>} : memref<64x128xf32, #tpu.memory_space<vmem>>, vector<64x128xf32>,
    return
  }
}

module attributes {stable_mosaic.version = 14 : i64} {
  func.func @_mlp_body(%arg0: memref<10000x128xf32, #tpu.memory_space<vmem>>, %arg1: memref<2x10112x128xf32, #tpu.memory_space<vmem>>, %arg2: memref<256x128xf32, #tpu.memory_space<vmem>>, %arg3: memref<1x256xf32, #tpu.memory_space<vmem>>, %arg4: memref<1x256xf32, #tpu.memory_space<vmem>>, %arg5: memref<1x256xf32, #tpu.memory_space<vmem>>, %arg6: memref<128x256xf32, #tpu.memory_space<vmem>>, %arg7: memref<1x128xf32, #tpu.memory_space<vmem>>, %arg8: memref<1x128xf32, #tpu.memory_space<vmem>>, %arg9: memref<1x128xf32, #tpu.memory_space<vmem>>, %arg10: memref<1x2xf32, #tpu.memory_space<vmem>>, %arg11: memref<10000x128xf32, #tpu.memory_space<vmem>>) attributes {dimension_semantics = [], scalar_prefetch = 0 : i64, scratch_operands = 0 : i64, tpu.core_type = #tpu.core_type<tc>} {
    %get3A = arith.constant 0 : index
    %get3A_0 = arith.constant 0 : index
    %get3A_1 = vector.load %arg0[%get3A, %get3A_0] : memref<10000x128xf32, #tpu.memory_space<vmem>>, vector<10000x128xf32>
    %get3A_2 = arith.constant 0 : index
    %get3A_3 = arith.constant 0 : index
    %get3A_4 = vector.load %arg10[%get3A_2, %get3A_3] : memref<1x2xf32, #tpu.memory_space<vmem>>, vector<1x1xf32>
    %get3A_5 = vector.extract %get3A_4[0, 0] : f32 from vector<1x1xf32>
    %mul3A = vector.broadcast %get3A_5 : f32 to vector<10000x128xf32>
    %mul3A_6 = arith.mulf %mul3A, %get3A_1 : vector<10000x128xf32>
    %get3A_7 = arith.constant 0 : index
    %get3A_8 = arith.constant 0 : index
    %get3A_9 = arith.constant 0 : index
    %get3A_10 = vector.load %arg1[%get3A_7, %get3A_8, %get3A_9] : memref<2x10112x128xf32, #tpu.memory_space<vmem>>, vector<1x10000x128xf32>
    %get3A_11 = vector.shape_cast %get3A_10 : vector<1x10000x128xf32> to vector<10000x128xf32>
    %add3A = arith.addf %mul3A_6, %get3A_11 : vector<10000x128xf32>
    %get3A_12 = arith.constant 1 : index
    %get3A_13 = arith.constant 0 : index
    %get3A_14 = arith.constant 0 : index
    %get3A_15 = vector.load %arg1[%get3A_12, %get3A_13, %get3A_14] : memref<2x10112x128xf32, #tpu.memory_space<vmem>>, vector<1x10000x128xf32>
    %get3A_16 = vector.shape_cast %get3A_15 : vector<1x10000x128xf32> to vector<10000x128xf32>
    %add3A_17 = arith.addf %add3A, %get3A_16 : vector<10000x128xf32>
    %get3A_18 = arith.constant 0 : index
    %get3A_19 = arith.constant 0 : index
    %get3A_20 = vector.load %arg2[%get3A_18, %get3A_19] : memref<256x128xf32, #tpu.memory_space<vmem>>, vector<256x128xf32>
    %dot_general3A = arith.constant dense<0.000000e+00> : vector<10000x256xf32>
    %dot_general3A_21 = tpu.matmul %add3A_17, %get3A_20, %dot_general3A {dimension_numbers = #tpu.dot_dimension_numbers<[1], [1], [0], [0], [0, 0, 1, 0], [], []>, transpose_lhs_hint = false} : vector<10000x128xf32>, vector<256x128xf32>, vector<10000x256xf32> -> vector<10000x256xf32>
    %get3A_22 = arith.constant 0 : index
    %get3A_23 = arith.constant 0 : index
    %get3A_24 = vector.load %arg3[%get3A_22, %get3A_23] : memref<1x256xf32, #tpu.memory_space<vmem>>, vector<1x256xf32>
    %add3A_25 = vector.broadcast %get3A_24 : vector<1x256xf32> to vector<10000x256xf32>
    %add3A_26 = arith.addf %dot_general3A_21, %add3A_25 : vector<10000x256xf32>
    %reduce_sum3A = arith.constant dense<0.000000e+00> : vector<256xf32>
    %reduce_sum3A_27 = vector.multi_reduction <add>, %add3A_26, %reduce_sum3A [0] : vector<10000x256xf32> to vector<256xf32>
    %broadcast_in_dim3A = vector.shape_cast %reduce_sum3A_27 : vector<256xf32> to vector<1x256xf32>
    %div3A = arith.constant 1.000000e+04 : f32
    %div3A_28 = vector.broadcast %div3A : f32 to vector<1x256xf32>
    %div3A_29 = arith.divf %broadcast_in_dim3A, %div3A_28 : vector<1x256xf32>
    %sub3A = vector.broadcast %div3A_29 : vector<1x256xf32> to vector<10000x256xf32>
    %sub3A_30 = arith.subf %add3A_26, %sub3A : vector<10000x256xf32>
    %integer_pow3A = arith.mulf %sub3A_30, %sub3A_30 : vector<10000x256xf32>
    %reduce_sum3A_31 = arith.constant dense<0.000000e+00> : vector<256xf32>
    %reduce_sum3A_32 = vector.multi_reduction <add>, %integer_pow3A, %reduce_sum3A_31 [0] : vector<10000x256xf32> to vector<256xf32>
    %broadcast_in_dim3A_33 = vector.shape_cast %reduce_sum3A_32 : vector<256xf32> to vector<1x256xf32>
    %div3A_34 = arith.constant 1.000000e+04 : f32
    %div3A_35 = vector.broadcast %div3A_34 : f32 to vector<1x256xf32>
    %div3A_36 = arith.divf %broadcast_in_dim3A_33, %div3A_35 : vector<1x256xf32>
    %sub3A_37 = vector.broadcast %div3A_29 : vector<1x256xf32> to vector<10000x256xf32>
    %sub3A_38 = arith.subf %add3A_26, %sub3A_37 : vector<10000x256xf32>
    %add3A_39 = arith.constant 9.99999974E-6 : f32
    %add3A_40 = vector.broadcast %add3A_39 : f32 to vector<1x256xf32>
    %add3A_41 = arith.addf %div3A_36, %add3A_40 : vector<1x256xf32>
    %sqrt3A = math.sqrt %add3A_41 : vector<1x256xf32>
    %div3A_42 = vector.broadcast %sqrt3A : vector<1x256xf32> to vector<10000x256xf32>
    %div3A_43 = arith.divf %sub3A_38, %div3A_42 : vector<10000x256xf32>
    %get3A_44 = arith.constant 0 : index
    %get3A_45 = arith.constant 0 : index
    %get3A_46 = vector.load %arg4[%get3A_44, %get3A_45] : memref<1x256xf32, #tpu.memory_space<vmem>>, vector<1x256xf32>
    %mul3A_47 = vector.broadcast %get3A_46 : vector<1x256xf32> to vector<10000x256xf32>
    %mul3A_48 = arith.mulf %div3A_43, %mul3A_47 : vector<10000x256xf32>
    %get3A_49 = arith.constant 0 : index
    %get3A_50 = arith.constant 0 : index
    %get3A_51 = vector.load %arg5[%get3A_49, %get3A_50] : memref<1x256xf32, #tpu.memory_space<vmem>>, vector<1x256xf32>
    %add3A_52 = vector.broadcast %get3A_51 : vector<1x256xf32> to vector<10000x256xf32>
    %add3A_53 = arith.addf %mul3A_48, %add3A_52 : vector<10000x256xf32>
    %max3A = arith.constant 0.000000e+00 : f32
    %max3A_54 = vector.broadcast %max3A : f32 to vector<10000x256xf32>
    %max3A_55 = arith.maximumf %add3A_53, %max3A_54 : vector<10000x256xf32>
    %get3A_56 = arith.constant 0 : index
    %get3A_57 = arith.constant 0 : index
    %get3A_58 = vector.load %arg6[%get3A_56, %get3A_57] : memref<128x256xf32, #tpu.memory_space<vmem>>, vector<128x256xf32>
    %dot_general3A_59 = arith.constant dense<0.000000e+00> : vector<10000x128xf32>
    %dot_general3A_60 = tpu.matmul %max3A_55, %get3A_58, %dot_general3A_59 {dimension_numbers = #tpu.dot_dimension_numbers<[1], [1], [0], [0], [0, 0, 1, 0], [], []>, transpose_lhs_hint = false} : vector<10000x256xf32>, vector<128x256xf32>, vector<10000x128xf32> -> vector<10000x128xf32>
    %get3A_61 = arith.constant 0 : index
    %get3A_62 = arith.constant 0 : index
    %get3A_63 = vector.load %arg7[%get3A_61, %get3A_62] : memref<1x128xf32, #tpu.memory_space<vmem>>, vector<1x128xf32>
    %add3A_64 = vector.broadcast %get3A_63 : vector<1x128xf32> to vector<10000x128xf32>
    %add3A_65 = arith.addf %dot_general3A_60, %add3A_64 : vector<10000x128xf32>
    %reduce_sum3A_66 = arith.constant dense<0.000000e+00> : vector<128xf32>
    %reduce_sum3A_67 = vector.multi_reduction <add>, %add3A_65, %reduce_sum3A_66 [0] : vector<10000x128xf32> to vector<128xf32>
    %broadcast_in_dim3A_68 = vector.shape_cast %reduce_sum3A_67 : vector<128xf32> to vector<1x128xf32>
    %div3A_69 = arith.constant 1.000000e+04 : f32
    %div3A_70 = vector.broadcast %div3A_69 : f32 to vector<1x128xf32>
    %div3A_71 = arith.divf %broadcast_in_dim3A_68, %div3A_70 : vector<1x128xf32>
    %sub3A_72 = vector.broadcast %div3A_71 : vector<1x128xf32> to vector<10000x128xf32>
    %sub3A_73 = arith.subf %add3A_65, %sub3A_72 : vector<10000x128xf32>
    %integer_pow3A_74 = arith.mulf %sub3A_73, %sub3A_73 : vector<10000x128xf32>
    %reduce_sum3A_75 = arith.constant dense<0.000000e+00> : vector<128xf32>
    %reduce_sum3A_76 = vector.multi_reduction <add>, %integer_pow3A_74, %reduce_sum3A_75 [0] : vector<10000x128xf32> to vector<128xf32>
    %broadcast_in_dim3A_77 = vector.shape_cast %reduce_sum3A_76 : vector<128xf32> to vector<1x128xf32>
    %div3A_78 = arith.constant 1.000000e+04 : f32
    %div3A_79 = vector.broadcast %div3A_78 : f32 to vector<1x128xf32>
    %div3A_80 = arith.divf %broadcast_in_dim3A_77, %div3A_79 : vector<1x128xf32>
    %sub3A_81 = vector.broadcast %div3A_71 : vector<1x128xf32> to vector<10000x128xf32>
    %sub3A_82 = arith.subf %add3A_65, %sub3A_81 : vector<10000x128xf32>
    %add3A_83 = arith.constant 9.99999974E-6 : f32
    %add3A_84 = vector.broadcast %add3A_83 : f32 to vector<1x128xf32>
    %add3A_85 = arith.addf %div3A_80, %add3A_84 : vector<1x128xf32>
    %sqrt3A_86 = math.sqrt %add3A_85 : vector<1x128xf32>
    %div3A_87 = vector.broadcast %sqrt3A_86 : vector<1x128xf32> to vector<10000x128xf32>
    %div3A_88 = arith.divf %sub3A_82, %div3A_87 : vector<10000x128xf32>
    %get3A_89 = arith.constant 0 : index
    %get3A_90 = arith.constant 0 : index
    %get3A_91 = vector.load %arg8[%get3A_89, %get3A_90] : memref<1x128xf32, #tpu.memory_space<vmem>>, vector<1x128xf32>
    %mul3A_92 = vector.broadcast %get3A_91 : vector<1x128xf32> to vector<10000x128xf32>
    %mul3A_93 = arith.mulf %div3A_88, %mul3A_92 : vector<10000x128xf32>
    %get3A_94 = arith.constant 0 : index
    %get3A_95 = arith.constant 0 : index
    %get3A_96 = vector.load %arg9[%get3A_94, %get3A_95] : memref<1x128xf32, #tpu.memory_space<vmem>>, vector<1x128xf32>
    %add3A_97 = vector.broadcast %get3A_96 : vector<1x128xf32> to vector<10000x128xf32>
    %add3A_98 = arith.addf %mul3A_93, %add3A_97 : vector<10000x128xf32>
    %get3A_99 = arith.constant 0 : index
    %get3A_100 = arith.constant 1 : index
    %get3A_101 = vector.load %arg10[%get3A_99, %get3A_100] : memref<1x2xf32, #tpu.memory_space<vmem>>, vector<1x1xf32>
    %get3A_102 = vector.extract %get3A_101[0, 0] : f32 from vector<1x1xf32>
    %ne3A = arith.constant 0.000000e+00 : f32
    %ne3A_103 = arith.cmpf one, %get3A_102, %ne3A : f32
    %max3A_104 = arith.constant 0.000000e+00 : f32
    %max3A_105 = vector.broadcast %max3A_104 : f32 to vector<10000x128xf32>
    %max3A_106 = arith.maximumf %add3A_98, %max3A_105 : vector<10000x128xf32>
    %select_n3A = arith.select %ne3A_103, %max3A_106, %add3A_98 : vector<10000x128xf32>
    %swap3A = arith.constant 0 : index
    %swap3A_107 = arith.constant 0 : index
    %swap3A_108 = vector.load %arg11[%swap3A, %swap3A_107] : memref<10000x128xf32, #tpu.memory_space<vmem>>, vector<10000x128xf32>
    tpu.vector_store %arg11[%swap3A, %swap3A_107], %select_n3A {strides = array<i32>} : memref<10000x128xf32, #tpu.memory_space<vmem>>, vector<10000x128xf32>,
    return
  }
}

</mosaic_0001>

<sc_bundles>
// kernel: kernel.5.cloned.1.call-start
scs
__scs_entry_jumppad:
0x0: {  	(pc) =	sbr.rel $0x88, $3  }
0x1: {  	(tag) =	ssettag $0x0;
	lr =	simm.s32 $0x1  }
0x2: {  	[smem:$0x3F93] =	sst lr;
	_ =	strace $0xD0000000  }
0x3: {  	_ = 	snop  }
0x4: {  	_ = 	snop  }
0x5: {  	_ = 	snop  }
0x6: {  	_ = 	snop  }
0x7: {  	_ = 	snop  }
__scs_overlays_trampoline_lowered:
0x8: {  	[smem:$0x3FA2] =	sst s0  }
0x9: {  	[smem:$0x3FA3] =	sst s1  }
0xa: {  	[smem:$0x3FA4] =	sst s2  }
0xb: {  	[smem:$0x3FA5] =	sst s3  }
0xc: {  	[smem:$0x3FA6] =	sst s4  }
0xd: {  	[smem:$0x3FA7] =	sst s5  }
0xe: {  	[smem:$0x3FA8] =	sst s6  }
0xf: {  	[smem:$0x3FA9] =	sst s7  }
0x10: {  	[smem:$0x3FAA] =	sst s8  }
0x11: {  	[smem:$0x3FAB] =	sst s9;
	s0 =	simm.s32 @!p0 $0x0  }
0x12: {  	s1 =	sld [smem:$0x3F91];
	s0 =	simm.s32 @p0 $0x1  }
0x13: {  	[smem:$0x3FAC] =	sst s0;
	s0 =	simm.s32 @!p1 $0x0  }
0x14: {  	s2 =	sld [smem:$0x3F90];
	s0 =	simm.s32 @p1 $0x1  }
0x15: {  	[smem:$0x3FAD] =	sst s0;
	s0 =	simm.s32 @!p2 $0x0  }
0x16: {  	s3 =	sld [smem:$0x3FDB];
	s0 =	simm.s32 @p2 $0x1  }
0x17: {  	s4 =	simm.s32 $0x1BF5;
	[smem:$0x3FAF] =	sst s0  }
0x18: {  	s0 =	sld [smem:$0x3F92];
	_ =	swait.ge [sflag:s4], $0x0  }
0x19: {  	s7 =	sld [smem:$0x3F93]  }
0x1a: {  	s8 =	sadd.s32 $0xFFFFE003, lr  }
0x1b: {  	s9 =	sadd.s32 $0xFFFFFEF7, lr;
	s5 =	simm.s32 $0xFFFFFFFF;
	p2 =	slt.u32 s8, $0xFFFFF086  }
0x1c: {  	p1 =	slt.u32 s9, $0xF7A;
	s5 =	simm.s32 @!p2 $0x0  }
0x1d: {  	s5 =	simm.s32 @p1 $0x1;
	p0 =	seq.s32 s7, s2  }
0x1e: {  	s7 =	smul.u32 @!p0 $0xF7A, s2;
	p2 =	seq.s32 @!p0 s5, $0x0  }
0x1f: {  	s9 =	smul.u32 $0xF7A, s1;
	s8 =	simm.s32 @!p0 $0x1BF5;
	p2 =	por !p2, p0  }
0x20: {  	[sflag:s8] =	ssyncset.s32 @!p0 $0xFFFFF086;
	s6 =	sadd.s32 @!p0 s3, s7;
	s7 =	simm.s32 @!p0 $0x108  }
0x21: {  	s3 =	sadd.s32 s3, s9;
	s6 =	sadd.s32 @!p0 $0x88, s6;
	s7 =	simm.s32 @p2 $0x1082  }
0x22: {  	[simem:s7], [sflag:s8] =	dma.local @!p0 [hbm:s6], $0xF7A  }
0x23: {  	s9 =	sor.u32 $0xD0000000, s2;
	s6 =	simm.s32 $0x108;
	_ =	swait.ge @!p0 [sflag:s8], $0x0  }
0x24: {  	s3 =	sadd.s32 $0x88, s3;
	s6 =	simm.s32 @!p1 $0x1082;
	[sflag:s4] =	ssyncset.s32 $0xFFFFF086  }
0x25: {  	[simem:s6], [sflag:s4] =	dma.local [hbm:s3], $0xF7A  }
0x26: {  	[smem:$0x3F93] =	sst s1;
	(tag) =	ssettag s2;
	_ =	strace s9  }
0x27: {  	s1 =	sld [smem:$0x3FA3]  }
0x28: {  	s2 =	sld [smem:$0x3FA4]  }
0x29: {  	s4 =	sld [smem:$0x3FA6]  }
0x2a: {  	p0 =	seq.s32 s5, $0x0;
	s5 =	sld [smem:$0x3FA7]  }
0x2b: {  	s6 =	sld [smem:$0x3FA8]  }
0x2c: {  	s7 =	sld [smem:$0x3FA9]  }
0x2d: {  	s3 =	simm.s32 $0x108;
	s8 =	sld [smem:$0x3FAA]  }
0x2e: {  	s3 =	simm.s32 @!p0 $0x1082;
	s9 =	sld [smem:$0x3FAB]  }
0x2f: {  	lr =	sadd.s32 s0, s3;
	s0 =	sld [smem:$0x3FA2]  }
0x30: {  	s3 =	sld [smem:$0x3FA5]  }
0x31: {  	[smem:$0x3FAE] =	sst s10  }
0x32: {  	s10 =	sld [smem:$0x3FAC];
	_ =	sdelay $0x3  }
0x33: {  	p0 =	seq.s32 s10, $0x1;
	s10 =	sld [smem:$0x3FAE];
	_ =	sdelay $0x3  }
0x34: {  	[smem:$0x3FAE] =	sst s10  }
0x35: {  	s10 =	sld [smem:$0x3FAD];
	_ =	sdelay $0x3  }
0x36: {  	p1 =	seq.s32 s10, $0x1;
	s10 =	sld [smem:$0x3FAE];
	_ =	sdelay $0x3  }
0x37: {  	[smem:$0x3FAE] =	sst s10  }
0x38: {  	s10 =	sld [smem:$0x3FAF]  }
0x39: {  	_ = 	snop;
	(pc) =	sbr.ind lr, $3  }
0x3a: {  	_ = 	snop  }
0x3b: {  	_ = 	snop  }
0x3c: {  	p2 =	seq.s32 s10, $0x1;
	s10 =	sld [smem:$0x3FAE]  }
0x3d: {  	_ =	shalt  }
0x3e: {  	_ =	shalt  }
0x3f: {  	_ =	shalt  }
0x40: {  	_ =	shalt  }
0x41: {  	_ =	shalt  }
0x42: {  	_ =	shalt  }
0x43: {  	_ =	shalt  }
0x44: {  	_ =	shalt  }
0x45: {  	_ =	shalt  }
0x46: {  	_ =	shalt  }
0x47: {  	_ =	shalt  }
0x48: {  	_ =	shalt  }
0x49: {  	_ =	shalt  }
0x4a: {  	_ =	shalt  }
0x4b: {  	_ =	shalt  }
0x4c: {  	_ =	shalt  }
0x4d: {  	_ =	shalt  }
0x4e: {  	_ =	shalt  }
0x4f: {  	_ =	shalt  }
0x50: {  	_ =	shalt  }
0x51: {  	_ =	shalt  }
0x52: {  	_ =	shalt  }
0x53: {  	_ =	shalt  }
0x54: {  	_ =	shalt  }
0x55: {  	_ =	shalt  }
0x56: {  	_ =	shalt  }
0x57: {  	_ =	shalt  }
0x58: {  	_ =	shalt  }
0x59: {  	_ =	shalt  }
0x5a: {  	_ =	shalt  }
0x5b: {  	_ =	shalt  }
0x5c: {  	_ =	shalt  }
0x5d: {  	_ =	shalt  }
0x5e: {  	_ =	shalt  }
0x5f: {  	_ =	shalt  }
0x60: {  	_ =	shalt  }
0x61: {  	_ =	shalt  }
0x62: {  	_ =	shalt  }
0x63: {  	_ =	shalt  }
0x64: {  	_ =	shalt  }
0x65: {  	_ =	shalt  }
0x66: {  	_ =	shalt  }
0x67: {  	_ =	shalt  }
0x68: {  	_ =	shalt  }
0x69: {  	_ =	shalt  }
0x6a: {  	_ =	shalt  }
0x6b: {  	_ =	shalt  }
0x6c: {  	_ =	shalt  }
0x6d: {  	_ =	shalt  }
0x6e: {  	_ =	shalt  }
0x6f: {  	_ =	shalt  }
0x70: {  	_ =	shalt  }
0x71: {  	_ =	shalt  }
0x72: {  	_ =	shalt  }
0x73: {  	_ =	shalt  }
0x74: {  	_ =	shalt  }
0x75: {  	_ =	shalt  }
0x76: {  	_ =	shalt  }
0x77: {  	_ =	shalt  }
0x78: {  	_ =	shalt  }
0x79: {  	_ =	shalt  }
0x7a: {  	_ =	shalt  }
0x7b: {  	_ =	shalt  }
0x7c: {  	_ =	shalt  }
0x7d: {  	_ =	shalt  }
0x7e: {  	_ =	shalt  }
0x7f: {  	_ =	shalt  }
0x80: {  	_ =	shalt  }
0x81: {  	_ =	shalt  }
0x82: {  	_ =	shalt  }
0x83: {  	_ =	shalt  }
0x84: {  	_ =	shalt  }
0x85: {  	_ =	shalt  }
0x86: {  	_ =	shalt  }
0x87: {  	_ =	shalt  }
.Lfunc_end0:
.L_simem_size_0:
called_computation_lowered:
.L_overlay_start_0:
0x88: {  	s2 =	sld [smem:$0x3FD9]  }
0x89: {  	s3 =	sld [smem:$0x3FFE];
	_ =	sdelay $0x1  }
0x8a: {  	s1 =	srdreg.scid  }
0x8b: {  	s0 =	sand.u32 $0x1, s1  }
0x8c: {  	s17 =	sshll.u32 s0, $0xA;
	s2 =	sadd.s32 s3, s2  }
0x8d: {  	s2 =	sadd.s32 s2, s17  }
0x8e: {  	[smem:$0x3FBA] =	sst s2  }
0x8f: {  	_ = 	snop  }
0x90: {  	s2 =	sld [smem:$0x3FC9]  }
0x91: {  	s18 =	sld [smem:$0x3FD0];
	(tm) =	ssettm $0x1  }
0x92: {  	s4 =	sld [smem:$0x3FFB];
	_ =	sdelay $0x3  }
0x93: {  	_ =	strace s4  }
0x94: {  	s4 =	sld [smem:$0x3FFC];
	_ =	sdelay $0x3  }
0x95: {  	_ =	strace s4  }
0x96: {  	s4 =	sld [smem:$0x3FFD];
	_ =	sdelay $0x3  }
0x97: {  	_ =	strace s4  }
0x98: {  	_ =	strace $0x8FFFFFFF  }
0x99: {  	s19 =	sld [smem:$0x3FDB];
	_ =	sdelay $0x1  }
0x9a: {  	s5 =	simm.s32 $_scs_section_size  }
0x9b: {  	s6 =	simm.s32 $_size__tile_overlayer_lowered;
	s7 =	simm.s32 $_tile_overlayer_lowered  }
0x9c: {  	s22 =	simm.s32 $0x1BFF;
	s21 =	sshll.u32 s7, $0x1;
	s4 =	sadd.s32 s5, s19  }
0x9d: {  	s8 =	simm.s32 $0x0;
	s20 =	sshll.u32 s6, $0x1;
	s6 =	sadd.s32 s21, s4  }
0x9e: {  	[timem:s8], [sflag:s22] =	dma.local [hbm:s6], s20  }
0x9f: {  	_ =	swait.ge [sflag:s22], s20  }
0xa0: {  	s5 =	ssub.s32 $0x0, s20;
	[sflag:s22] =	ssyncset.done $0x0  }
0xa1: {  	[sflag:s22] =	ssyncadd.s32 s5;
	_ =	sdelay $0x1  }
0xa2: {  	s23 =	simm.s32 $0x1B8B  }
0xa3: {  	_ =	swait.ge [sflag:s23], $0x1  }
0xa4: {  	[sflag:s23] =	ssyncset.done $0x0  }
0xa5: {  	s25 =	simm.s32 $0x1B8E;
	s24 =	sld [smem:$0x3FFE];
	[sflag:s23] =	ssyncadd.s32 $0xFFFFFFFF  }
0xa6: {  	s26 =	simm.s32 $execute0_lowered;
	[smem:$0x3FD2] =	sst s25  }
0xa7: {  	s6 =	sshll.u32 s26, $0x1;
	_ =	strace $0x80000046;
	[dreg:$0x1] =	wrdreg $0xFFFFFFFF  }
0xa8: {  	s28 =	simm.s32 $_size_execute0_lowered;
	s4 =	sadd.s32 s4, s6;
	[dreg:$0x0] =	wrdreg $0x0  }
0xa9: {  	s6 =	sshll.u32 s28, $0x1;
	[dreg:$0x2] =	wrdreg s4  }
0xaa: {  	[dreg:$0x3] =	wrdreg s6  }
0xab: {  	[dreg:$0x4] =	wrdreg $0xC0  }
0xac: {  	_ =	task [dreg:s8], $0x5FFFF  }
0xad: {  	[dreg:$0x1] =	wrdreg $0xFFFFFFFF  }
0xae: {  	[dreg:$0x0] =	wrdreg $0x60  }
0xaf: {  	[dreg:$0x2] =	wrdreg s2  }
0xb0: {  	[dreg:$0x3] =	wrdreg s24  }
0xb1: {  	[dreg:$0x4] =	wrdreg s18  }
0xb2: {  	[dreg:$0x5] =	wrdreg $0xA7000  }
0xb3: {  	[dreg:$0x6] =	wrdreg $0xA5000  }
0xb4: {  	[dreg:$0x7] =	wrdreg $0x9  }
0xb5: {  	_ =	task.clear_ibuf [dreg:s8], $0x8FFFF;
	_ =	strace $0x90000046  }
0xb6: {  	s29 =	simm.s32 $0x9;
	_ =	strace $0x80000048  }
0xb7: {  	_ =	swait.ge [sflag:s29], $0x1  }
0xb8: {  	[sflag:s29] =	ssyncadd.s32 $0xFFFFFFFF  }
0xb9: {  	_ =	strace $0x90000048  }
0xba: {  	_ =	sfence  }
0xbb: {  	s30 =	sld [smem:$0x0];
	_ =	sdelay $0x2  }
0xbc: {  	s31 =	sshll.u32 s1, $0xD;
	s1 =	sshrl.u32 s1, $0x2  }
0xbd: {  	s3 =	sand.u32 $0x4000, s31;
	s1 =	sadd.s32 s1, s30  }
0xbe: {  	s0 =	sor.u32 s3, s0;
	s1 =	sshll.u32 s1, $0x11  }
0xbf: {  	s0 =	sor.u32 s1, s0  }
0xc0: {  	s0 =	sadd.s32 $0x8F2B, s0  }
0xc1: {  	[sflag:s0] =	ssyncadd.remote.s32 $0x1  }
0xc2: {  	_ =	sfence.sel $0xFFFF  }
0xc3: {  	[dreg:$0x0] =	wrdreg $0xFFFFFFFF;
	(pc) =	sbr.abs _section_cstart, $3  }
0xc4: {  	[dreg:$0x1] =	wrdreg $0xFFFFFFFF  }
0xc5: {  	_ =	task.clear_ibuf [dreg:s8], $0x2FFFF;
	_ =	strace $0x9FFFFFFF  }
0xc6: {  	(tm) =	ssettm $0x7FFFFFFF  }
0xc7: {  	_ =	shalt  }
tec
execute0_lowered:
.L_overlay_start_1:
0x0: {  	(tag) =	ssettag $0x1  }
0x1: {  	s0 =	rddreg [dreg:$0x0]  }
0x2: {  	s2 =	rddreg [dreg:$0x1]  }
0x3: {  	s1 =	rddreg [dreg:$0x2]  }
0x4: {  	s3 =	rddreg [dreg:$0x3]  }
0x5: {  	s6 =	rddreg [dreg:$0x4]  }
0x6: {  	s7 =	stileid.u32;
	s5 =	srdreg.scid;
	s4 =	simm.s32 $0x0  }
0x7: {  	s17 =	simm.s32 $0x200;
	s18 =	simm.s32 $0x1;
	s28 =	simm.s32 $0x3  }
0x8: {  	s29 =	simm.s32 $0x5;
	s30 =	simm.s32 $0xA400;
	s31 =	simm.s32 $0x4  }
0x9: {  	s8 =	smul.u32 $0x13C00, s7;
	s9 =	sand.u32 $0x1, s5;
	[smem:$0x7FF] =	sst s4  }
0xa: {  	s5 =	sadd.s32 $0x1600, s2;
	s12 =	smul.u32 $0x4F000, s7;
	s24 =	sshll.u32 s7, $0x6  }
0xb: {  	p0 =	sne.s32 s7, $0x0;
	s11 =	smul.u32 $0x13C000, s9;
	_ =	strace $0x80000047  }
0xc: {  	s19 =	sshll.u32 s9, $0x4;
	s9 =	ssub.s32 $0x2, s9;
	s10 =	sshrl.u32 s8, $0x3  }
0xd: {  	s13 =	sshrl.u32 s9, $0x1;
	s12 =	sshrl.u32 s12, $0x2;
	s10 =	sadd.s32 s10, s2  }
0xe: {  	s8 =	sadd.s32 s8, s11;
	s11 =	sor.u32 s7, s19;
	s20 =	ssub.s32 s9, s13  }
0xf: {  	s21 =	sadd.s32 s12, s3;
	s13 =	sor.u32 $0x1C09, s24;
	s14 =	smul.u32 $0xFA00, s11  }
0x10: {  	s19 =	simm.s32 $0x50;
	s24 =	simm.s32 $0x2C00;
	s22 =	smul.u32 $0x1F40, s11  }
0x11: {  	s8 =	sshrl.u32 s8, $0x3;
	s10 =	sadd.s32 $0x3FE00, s10;
	s11 =	smul.u32 $0x7D, s11  }
0x12: {  	s26 =	smax.u32 s20, $0x1;
	s9 =	sshrl.u32 s21, $0x3;
	[dreg:$0x7] =	wrdreg s13  }
0x13: {  	s20 =	simm.s32 $0x400;
	s21 =	simm.s32 $0x80;
	[dreg:$0x6] =	wrdreg s10  }
0x14: {  	s2 =	sadd.s32 s8, s2;
	[dreg:$0xb] =	wrdreg s26;
	s26 =	simm.s32 $0x7C00  }
0x15: {  	s8 =	simm.s32 $0xA480;
	[dreg:$0xc] =	wrdreg s9;
	s23 =	sshrl.u32 s14, $0x3  }
0x16: {  	s10 =	sadd.s32 s5, s22;
	s2 =	sadd.s32 $0x67600, s2;
	s22 =	simm.s32 $0x5400  }
0x17: {  	s14 =	simm.s32 $0x0;
	s12 =	sadd.s32 s5, s23;
	[dreg:$0x8] =	wrdreg s10  }
0x18: {  	s10 =	sadd.s32 $0x2, s11;
	s11 =	sadd.s32 $0x3, s11;
	[dreg:$0xa] =	wrdreg s2  }
0x19: {  	s2 =	sshrl.u32 @!p0 s6, $0x3;
	s23 =	simm.s32 $0x2;
	s6 =	simm.s32 $0x7  }
0x1a: {  	s25 =	sadd.s32 $0x40, s12;
	s12 =	simm.s32 $0x9;
	[dreg:$0xd] =	wrdreg s2  }
0x1b: {  	s2 =	simm.s32 $0x6;
	[dreg:$0x9] =	wrdreg s25;
	s25 =	simm.s32 $0x280  }
.LBB2_1:
0x1c: {  	[dreg:$0xe] =	wrdreg s14  }
0x1d: {  	s7 =	rddreg [dreg:$0x6]  }
0x1e: {  	[spmem:s9], [sflag:s13] =	dma.local [hbm:s7], $0x2780  }
0x1f: {  	_ =	swait.ge [sflag:s12], $0x2780  }
0x20: {  	[sflag:s12] =	ssyncset.done $0x0  }
0x21: {  	s7 =	rddreg [dreg:$0xd];
	[sflag:s12] =	ssyncadd.s32 $0xFFFFD880  }
0x22: {  	[spmem:s7], [sflag:s13] =	dma.local @!p0 [hbm:s1], $0x400  }
0x23: {  	s7 =	simm.s32 @!p0 $0x9  }
0x24: {  	_ =	swait.ge @!p0 [sflag:s7], $0x400  }
0x25: {  	[sflag:s7] =	ssyncset.done @!p0 $0x0  }
0x26: {  	[sflag:s7] =	ssyncadd.s32 @!p0 $0xFFFFFC00  }
0x27: {  	[bflag:$0x0] =	sbarrier.arrive $0xFFFF  }
0x28: {  	s15 =	rddreg [dreg:$0x8]  }
0x29: {  	[tilespmem:s4], [sflag:$0x1] =	stream.linear.gather [hbm4b:s15+s4], $0x180, $0x38;
	[tilespmem:$0x1E300] =	vst v63  }
0x2a: {  	s16 =	rddreg [dreg:$0x9]  }
0x2b: {  	[tilespmem:s17], [sflag:$0x2] =	stream.linear.gather [hbm4b:s16+s4], $0x180, $0x38;
	[tilespmem:$0x1E300] =	vst v63  }
0x2c: {  	_ =	swait.ge [sflag:s18], $0x180  }
0x2d: {  	[sflag:s18] =	ssyncset.done $0x0  }
0x2e: {  	[sflag:s18] =	ssyncadd.s32 $0xFFFFFE80  }
0x2f: {  	[tilespmem:s20], [sflag:$0x3] =	stream.indirect.gather [hbm4b:s0+s19], $0x80, s4, s19, $0xb8;
	[tilespmem:$0x1E300] =	vst v63  }
0x30: {  	s13 =	simm.s32 $0x0  }
0x31: {  	[tilespmem:s22], [sflag:$0x5] =	stream.indirect.gather [hbm4b:s1+s19], $0x80, s21, s19, $0xb8;
	[tilespmem:$0x1E300] =	vst v63  }
.LBB2_2:
0x32: {  	p1 =	seq.s32 s13, $0x0  }
0x33: {  	s7 =	simm.s32 @!p1 $0x8  }
0x34: {  	_ =	swait.ge @!p1 [sflag:s7], $0x2800  }
0x35: {  	[sflag:s7] =	ssyncset.done @!p1 $0x0  }
0x36: {  	[sflag:s7] =	ssyncadd.s32 @!p1 $0xFFFFD800  }
0x37: {  	_ =	swait.ge [sflag:s23], $0x180  }
0x38: {  	[sflag:s23] =	ssyncset.done $0x0  }
0x39: {  	[sflag:s23] =	ssyncadd.s32 $0xFFFFFE80  }
0x3a: {  	[tilespmem:s24], [sflag:$0x4] =	stream.indirect.gather [hbm4b:s0+s19], $0x80, s17, s19, $0xb8;
	[tilespmem:$0x1E300] =	vst v63  }
0x3b: {  	_ = 	snop  }
0x3c: {  	[tilespmem:s26], [sflag:$0x6] =	stream.indirect.gather [hbm4b:s1+s19], $0x80, s25, s19, $0xb8;
	[tilespmem:$0x1E300] =	vst v63  }
0x3d: {  	_ =	swait.ge [sflag:s28], $0x2800  }
0x3e: {  	[sflag:s28] =	ssyncset.done $0x0  }
0x3f: {  	[sflag:s28] =	ssyncadd.s32 $0xFFFFD800  }
0x40: {  	_ =	swait.ge [sflag:s29], $0x2800  }
0x41: {  	[sflag:s29] =	ssyncset.done $0x0  }
0x42: {  	s9 =	simm.s32 $0x500;
	[sflag:s29] =	ssyncadd.s32 $0xFFFFD800  }
0x43: {  	s14 =	simm.s32 $0x5500;
	v0 =	vld [tilespmem:s9+$0x80]  }
0x44: {  	v1 =	vld [tilespmem:s14+$0x80]  }
0x45: {  	v2 =	vld [tilespmem:s14+$0xFFFFFF00]  }
0x46: {  	v3 =	vld [tilespmem:s9+$0xFFFFFF80]  }
0x47: {  	v4 =	vld [tilespmem:s14+$0xFFFFFF80]  }
0x48: {  	v5 =	vld [tilespmem:s14+$0x0]  }
0x49: {  	v0 =	vadd.f32 v1, v0;
	v1 =	vld [tilespmem:s9+$0x0]  }
0x4a: {  	v6 =	vld [tilespmem:s9+$0xFFFFFF00]  }
0x4b: {  	v0 =	vmax.f32 v0, $0.0e+00  }
0x4c: {  	v3 =	vadd.f32 v4, v3;
	[tilespmem:s9+$0x80] =	vst v0;
	v0 =	vld [tilespmem:s9+$0x90]  }
0x4d: {  	v7 =	vld [tilespmem:s14+$0x90]  }
0x4e: {  	v8 =	vld [tilespmem:s9+$0xFFFFFF90];
	v3 =	vmax.f32 v3, $0.0e+00;
	v1 =	vadd.f32 v5, v1  }
0x4f: {  	v4 =	vld [tilespmem:s9+$0xFFFFFF10];
	v2 =	vadd.f32 v2, v6;
	[tilespmem:s9+$0xFFFFFF80] =	vst v3  }
0x50: {  	v5 =	vld [tilespmem:s14+$0xFFFFFF90];
	v1 =	vmax.f32 v1, $0.0e+00  }
0x51: {  	v2 =	vmax.f32 v2, $0.0e+00;
	v3 =	vld [tilespmem:s9+$0x10];
	[tilespmem:s9+$0x0] =	vst v1  }
0x52: {  	[tilespmem:s9+$0xFFFFFF00] =	vst v2;
	v0 =	vadd.f32 v7, v0;
	v1 =	vld [tilespmem:s14+$0x10]  }
0x53: {  	v2 =	vld [tilespmem:s14+$0xFFFFFF10]  }
0x54: {  	v0 =	vmax.f32 v0, $0.0e+00  }
0x55: {  	v5 =	vadd.f32 v5, v8;
	[tilespmem:s9+$0x90] =	vst v0;
	v0 =	vld [tilespmem:s9+$0xA0]  }
0x56: {  	v7 =	vld [tilespmem:s14+$0xA0]  }
0x57: {  	v6 =	vld [tilespmem:s9+$0xFFFFFF20];
	v5 =	vmax.f32 v5, $0.0e+00;
	v1 =	vadd.f32 v1, v3  }
0x58: {  	v2 =	vadd.f32 v2, v4;
	v8 =	vld [tilespmem:s9+$0xFFFFFFA0];
	[tilespmem:s9+$0xFFFFFF90] =	vst v5  }
0x59: {  	v4 =	vld [tilespmem:s14+$0xFFFFFFA0];
	v1 =	vmax.f32 v1, $0.0e+00  }
0x5a: {  	v2 =	vmax.f32 v2, $0.0e+00;
	v3 =	vld [tilespmem:s9+$0x20];
	[tilespmem:s9+$0x10] =	vst v1  }
0x5b: {  	[tilespmem:s9+$0xFFFFFF10] =	vst v2;
	v0 =	vadd.f32 v7, v0;
	v1 =	vld [tilespmem:s14+$0x20]  }
0x5c: {  	v2 =	vld [tilespmem:s14+$0xFFFFFF20]  }
0x5d: {  	v0 =	vmax.f32 v0, $0.0e+00  }
0x5e: {  	v4 =	vadd.f32 v4, v8;
	[tilespmem:s9+$0xA0] =	vst v0;
	v0 =	vld [tilespmem:s9+$0xB0]  }
0x5f: {  	v7 =	vld [tilespmem:s14+$0xB0]  }
0x60: {  	v9 =	vld [tilespmem:s9+$0x30];
	v4 =	vmax.f32 v4, $0.0e+00;
	v1 =	vadd.f32 v1, v3  }
0x61: {  	v2 =	vadd.f32 v2, v6;
	v8 =	vld [tilespmem:s9+$0xFFFFFFB0];
	[tilespmem:s9+$0xFFFFFFA0] =	vst v4  }
0x62: {  	v3 =	vld [tilespmem:s14+$0xFFFFFFB0];
	v1 =	vmax.f32 v1, $0.0e+00  }
0x63: {  	v5 =	vld [tilespmem:s9+$0xFFFFFF30];
	[tilespmem:s9+$0x20] =	vst v1;
	v1 =	vmax.f32 v2, $0.0e+00  }
0x64: {  	v0 =	vadd.f32 v7, v0;
	[tilespmem:s9+$0xFFFFFF20] =	vst v1;
	v1 =	vld [tilespmem:s14+$0x30]  }
0x65: {  	v6 =	vld [tilespmem:s14+$0xFFFFFF30]  }
0x66: {  	v10 =	vld [tilespmem:s9+$0xFFFFFF40];
	v0 =	vmax.f32 v0, $0.0e+00  }
0x67: {  	v3 =	vadd.f32 v3, v8;
	[tilespmem:s9+$0xB0] =	vst v0;
	v0 =	vld [tilespmem:s9+$0xC0]  }
0x68: {  	v7 =	vld [tilespmem:s14+$0xC0]  }
0x69: {  	v11 =	vld [tilespmem:s9+$0xFFFFFFD0];
	v3 =	vmax.f32 v3, $0.0e+00;
	v1 =	vadd.f32 v1, v9  }
0x6a: {  	v4 =	vld [tilespmem:s9+$0xFFFFFFC0];
	[tilespmem:s9+$0xFFFFFFB0] =	vst v3;
	v5 =	vadd.f32 v6, v5  }
0x6b: {  	v6 =	vld [tilespmem:s14+$0xFFFFFFC0];
	v1 =	vmax.f32 v1, $0.0e+00  }
0x6c: {  	v2 =	vld [tilespmem:s9+$0x40];
	[tilespmem:s9+$0x30] =	vst v1;
	v1 =	vmax.f32 v5, $0.0e+00  }
0x6d: {  	v0 =	vadd.f32 v7, v0;
	v5 =	vld [tilespmem:s14+$0x40];
	[tilespmem:s9+$0xFFFFFF30] =	vst v1  }
0x6e: {  	v1 =	vld [tilespmem:s14+$0xFFFFFF40]  }
0x6f: {  	v8 =	vld [tilespmem:s9+$0xFFFFFF50];
	v0 =	vmax.f32 v0, $0.0e+00  }
0x70: {  	[tilespmem:s9+$0xC0] =	vst v0;
	v0 =	vadd.f32 v6, v4;
	v6 =	vld [tilespmem:s9+$0xD0]  }
0x71: {  	v7 =	vld [tilespmem:s14+$0xD0]  }
0x72: {  	v3 =	vld [tilespmem:s9+$0xFFFFFF60];
	v0 =	vmax.f32 v0, $0.0e+00;
	v2 =	vadd.f32 v5, v2  }
0x73: {  	v9 =	vld [tilespmem:s9+$0x50];
	[tilespmem:s9+$0xFFFFFFC0] =	vst v0;
	v0 =	vadd.f32 v1, v10  }
0x74: {  	v1 =	vld [tilespmem:s14+$0xFFFFFFD0];
	v2 =	vmax.f32 v2, $0.0e+00  }
0x75: {  	v4 =	vld [tilespmem:s9+$0xFFFFFFE0];
	[tilespmem:s9+$0x40] =	vst v2;
	v0 =	vmax.f32 v0, $0.0e+00  }
0x76: {  	v2 =	vld [tilespmem:s14+$0x50];
	v6 =	vadd.f32 v7, v6;
	[tilespmem:s9+$0xFFFFFF40] =	vst v0  }
0x77: {  	v0 =	vld [tilespmem:s14+$0xFFFFFF50]  }
0x78: {  	v5 =	vld [tilespmem:s9+$0x60];
	v6 =	vmax.f32 v6, $0.0e+00  }
0x79: {  	v1 =	vadd.f32 v1, v11;
	[tilespmem:s9+$0xD0] =	vst v6;
	v6 =	vld [tilespmem:s9+$0xE0]  }
0x7a: {  	v10 =	vld [tilespmem:s14+$0xE0]  }
0x7b: {  	v1 =	vmax.f32 v1, $0.0e+00;
	v7 =	vadd.f32 v2, v9;
	v2 =	vld [tilespmem:s9+$0xFFFFFF70]  }
0x7c: {  	[tilespmem:s9+$0xFFFFFFD0] =	vst v1;
	v0 =	vadd.f32 v0, v8;
	v1 =	vld [tilespmem:s9+$0xFFFFFFF0]  }
0x7d: {  	v8 =	vmax.f32 v7, $0.0e+00;
	v7 =	vld [tilespmem:s14+$0xFFFFFFE0]  }
0x7e: {  	[tilespmem:s9+$0x50] =	vst v8;
	v8 =	vmax.f32 v0, $0.0e+00;
	v0 =	vld [tilespmem:s9+$0x70]  }
0x7f: {  	[tilespmem:s9+$0xFFFFFF50] =	vst v8;
	v8 =	vld [tilespmem:s14+$0x60];
	v6 =	vadd.f32 v10, v6  }
0x80: {  	s16 =	sshll.u32 s13, $0x1;
	v9 =	vld [tilespmem:s14+$0xFFFFFF60]  }
0x81: {  	s15 =	simm.s32 $0x700;
	s12 =	simm.s32 $0x5500;
	s7 =	simm.s32 $0x0;
	v10 =	vmax.f32 v6, $0.0e+00;
	v6 =	vld [tilespmem:s9+$0xF0]  }
.LBB2_3:
0x82: {  	v11 =	vld [tilespmem:s15+$0x80];
	v4 =	vadd.f32 v7, v4;
	[tilespmem:s9+$0xE0] =	vst v10  }
0x83: {  	s12 =	sadd.s32 $0x200, s12;
	v7 =	vld [tilespmem:s14+$0xF0]  }
0x84: {  	s7 =	sadd.s32 $0x4, s7;
	v10 =	vld [tilespmem:s12+$0x80];
	v4 =	vmax.f32 v4, $0.0e+00;
	v5 =	vadd.f32 v8, v5  }
0x85: {  	p1 =	slt.u32 s7, $0x4C;
	v8 =	vld [tilespmem:s12+$0xFFFFFF00];
	v3 =	vadd.f32 v9, v3;
	[tilespmem:s9+$0xFFFFFFE0] =	vst v4  }
0x86: {  	v4 =	vld [tilespmem:s15+$0xFFFFFF80];
	v5 =	vmax.f32 v5, $0.0e+00  }
0x87: {  	v9 =	vld [tilespmem:s12+$0xFFFFFF80];
	v3 =	vmax.f32 v3, $0.0e+00;
	[tilespmem:s9+$0x60] =	vst v5  }
0x88: {  	v5 =	vld [tilespmem:s15+$0x0];
	[tilespmem:s9+$0xFFFFFF60] =	vst v3;
	v3 =	vadd.f32 v7, v6  }
0x89: {  	v6 =	vld [tilespmem:s12+$0x0];
	v7 =	vadd.f32 v10, v11  }
0x8a: {  	v10 =	vld [tilespmem:s15+$0xFFFFFF00];
	v3 =	vmax.f32 v3, $0.0e+00  }
0x8b: {  	v11 =	vld [tilespmem:s15+$0xFFFFFF10];
	v7 =	vmax.f32 v7, $0.0e+00;
	[tilespmem:s9+$0xF0] =	vst v3  }
0x8c: {  	v3 =	vadd.f32 v9, v4;
	[tilespmem:s15+$0x80] =	vst v7;
	v4 =	vld [tilespmem:s15+$0x90]  }
0x8d: {  	v7 =	vld [tilespmem:s12+$0x90]  }
0x8e: {  	v3 =	vmax.f32 v3, $0.0e+00;
	v9 =	vld [tilespmem:s15+$0xFFFFFF90];
	v5 =	vadd.f32 v6, v5  }
0x8f: {  	v6 =	vadd.f32 v8, v10;
	[tilespmem:s15+$0xFFFFFF80] =	vst v3;
	v3 =	vld [tilespmem:s15+$0x10]  }
0x90: {  	v8 =	vld [tilespmem:s12+$0xFFFFFF90];
	v5 =	vmax.f32 v5, $0.0e+00  }
0x91: {  	v6 =	vmax.f32 v6, $0.0e+00;
	v10 =	vld [tilespmem:s15+$0xFFFFFF20];
	[tilespmem:s15+$0x0] =	vst v5  }
0x92: {  	[tilespmem:s15+$0xFFFFFF00] =	vst v6;
	v5 =	vld [tilespmem:s12+$0x10];
	v4 =	vadd.f32 v7, v4  }
0x93: {  	v6 =	vld [tilespmem:s12+$0xFFFFFF10]  }
0x94: {  	v7 =	vld [tilespmem:s15+$0xFFFFFFA0];
	v4 =	vmax.f32 v4, $0.0e+00  }
0x95: {  	v8 =	vadd.f32 v8, v9;
	[tilespmem:s15+$0x90] =	vst v4;
	v4 =	vld [tilespmem:s15+$0xA0]  }
0x96: {  	v9 =	vld [tilespmem:s12+$0xA0]  }
0x97: {  	v8 =	vmax.f32 v8, $0.0e+00;
	v3 =	vadd.f32 v5, v3;
	v5 =	vld [tilespmem:s15+$0x20]  }
0x98: {  	v6 =	vadd.f32 v6, v11;
	v11 =	vld [tilespmem:s15+$0xFFFFFF30];
	[tilespmem:s15+$0xFFFFFF90] =	vst v8  }
0x99: {  	v8 =	vld [tilespmem:s12+$0xFFFFFFA0];
	v3 =	vmax.f32 v3, $0.0e+00  }
0x9a: {  	v6 =	vmax.f32 v6, $0.0e+00;
	v12 =	vld [tilespmem:s15+$0xFFFFFFB0];
	[tilespmem:s15+$0x10] =	vst v3  }
0x9b: {  	[tilespmem:s15+$0xFFFFFF10] =	vst v6;
	v3 =	vld [tilespmem:s12+$0x20];
	v4 =	vadd.f32 v9, v4  }
0x9c: {  	v6 =	vld [tilespmem:s12+$0xFFFFFF20]  }
0x9d: {  	v9 =	vld [tilespmem:s15+$0x30];
	v4 =	vmax.f32 v4, $0.0e+00  }
0x9e: {  	v7 =	vadd.f32 v8, v7;
	[tilespmem:s15+$0xA0] =	vst v4;
	v4 =	vld [tilespmem:s15+$0xB0]  }
0x9f: {  	v8 =	vld [tilespmem:s12+$0xB0]  }
0xa0: {  	v13 =	vld [tilespmem:s15+$0xFFFFFF40];
	v7 =	vmax.f32 v7, $0.0e+00;
	v3 =	vadd.f32 v3, v5  }
0xa1: {  	v5 =	vadd.f32 v6, v10;
	[tilespmem:s15+$0xFFFFFFA0] =	vst v7;
	v6 =	vld [tilespmem:s15+$0xFFFFFFC0]  }
0xa2: {  	v7 =	vld [tilespmem:s12+$0xFFFFFFB0];
	v3 =	vmax.f32 v3, $0.0e+00  }
0xa3: {  	v5 =	vmax.f32 v5, $0.0e+00;
	[tilespmem:s15+$0x20] =	vst v3;
	v10 =	vld [tilespmem:s15+$0x40]  }
0xa4: {  	[tilespmem:s15+$0xFFFFFF20] =	vst v5;
	v3 =	vld [tilespmem:s12+$0x30];
	v4 =	vadd.f32 v8, v4  }
0xa5: {  	v5 =	vld [tilespmem:s12+$0xFFFFFF30]  }
0xa6: {  	v8 =	vld [tilespmem:s15+$0xFFFFFF50];
	v4 =	vmax.f32 v4, $0.0e+00  }
0xa7: {  	v7 =	vadd.f32 v7, v12;
	[tilespmem:s15+$0xB0] =	vst v4;
	v4 =	vld [tilespmem:s15+$0xC0]  }
0xa8: {  	v12 =	vld [tilespmem:s12+$0xC0]  }
0xa9: {  	v7 =	vmax.f32 v7, $0.0e+00;
	v14 =	vld [tilespmem:s15+$0xFFFFFFD0];
	v3 =	vadd.f32 v3, v9  }
0xaa: {  	v5 =	vadd.f32 v5, v11;
	[tilespmem:s15+$0xFFFFFFB0] =	vst v7;
	v7 =	vld [tilespmem:s15+$0x50]  }
0xab: {  	v9 =	vld [tilespmem:s12+$0xFFFFFFC0];
	v11 =	vmax.f32 v3, $0.0e+00  }
0xac: {  	v5 =	vmax.f32 v5, $0.0e+00;
	v3 =	vld [tilespmem:s15+$0xFFFFFF60];
	[tilespmem:s15+$0x30] =	vst v11  }
0xad: {  	[tilespmem:s15+$0xFFFFFF30] =	vst v5;
	v5 =	vld [tilespmem:s12+$0x40];
	v11 =	vadd.f32 v12, v4  }
0xae: {  	v12 =	vld [tilespmem:s12+$0xFFFFFF40]  }
0xaf: {  	v4 =	vld [tilespmem:s15+$0xFFFFFFE0];
	v11 =	vmax.f32 v11, $0.0e+00  }
0xb0: {  	v6 =	vadd.f32 v9, v6;
	[tilespmem:s15+$0xC0] =	vst v11;
	v9 =	vld [tilespmem:s15+$0xD0]  }
0xb1: {  	v11 =	vld [tilespmem:s12+$0xD0]  }
0xb2: {  	v6 =	vmax.f32 v6, $0.0e+00;
	v10 =	vadd.f32 v5, v10;
	v5 =	vld [tilespmem:s15+$0x60]  }
0xb3: {  	v12 =	vadd.f32 v12, v13;
	[tilespmem:s15+$0xFFFFFFC0] =	vst v6;
	v6 =	vld [tilespmem:s14+$0xFFFFFF70]  }
0xb4: {  	v13 =	vld [tilespmem:s12+$0xFFFFFFD0];
	v10 =	vmax.f32 v10, $0.0e+00  }
0xb5: {  	v12 =	vmax.f32 v12, $0.0e+00;
	[tilespmem:s15+$0x40] =	vst v10;
	v10 =	vld [tilespmem:s14+$0xFFFFFFF0]  }
0xb6: {  	[tilespmem:s15+$0xFFFFFF40] =	vst v12;
	v12 =	vld [tilespmem:s12+$0x50];
	v9 =	vadd.f32 v11, v9  }
0xb7: {  	v11 =	vld [tilespmem:s12+$0xFFFFFF50]  }
0xb8: {  	v9 =	vmax.f32 v9, $0.0e+00;
	v2 =	vadd.f32 v6, v2;
	v6 =	vld [tilespmem:s14+$0x70];
	s14 =	smov.u32 s12  }
0xb9: {  	v13 =	vadd.f32 v13, v14;
	[tilespmem:s15+$0xD0] =	vst v9;
	v9 =	vld [tilespmem:s15+$0xE0]  }
0xba: {  	v14 =	vld [tilespmem:s12+$0xE0];
	v15 =	vmax.f32 v2, $0.0e+00;
	v10 =	vadd.f32 v10, v1  }
0xbb: {  	v2 =	vld [tilespmem:s15+$0xFFFFFF70];
	v1 =	vmax.f32 v13, $0.0e+00;
	v12 =	vadd.f32 v12, v7;
	[tilespmem:s9+$0xFFFFFF70] =	vst v15  }
0xbc: {  	v8 =	vadd.f32 v11, v8;
	[tilespmem:s15+$0xFFFFFFD0] =	vst v1;
	v1 =	vld [tilespmem:s15+$0xFFFFFFF0];
	v10 =	vmax.f32 v10, $0.0e+00  }
.Ltmp0:
0xbd: {  	v7 =	vld [tilespmem:s12+$0xFFFFFFE0];
	v11 =	vmax.f32 v12, $0.0e+00;
	[tilespmem:s9+$0xFFFFFFF0] =	vst v10;
	v6 =	vadd.f32 v6, v0;
	(pc) =	sbr.rel @p1 .LBB2_3-.Ltmp0, $4  }
0xbe: {  	v8 =	vmax.f32 v8, $0.0e+00;
	[tilespmem:s15+$0x50] =	vst v11;
	v0 =	vld [tilespmem:s15+$0x70]  }
0xbf: {  	[tilespmem:s15+$0xFFFFFF50] =	vst v8;
	v8 =	vld [tilespmem:s12+$0x60];
	v10 =	vadd.f32 v14, v9;
	v6 =	vmax.f32 v6, $0.0e+00  }
0xc0: {  	v9 =	vld [tilespmem:s12+$0xFFFFFF60];
	[tilespmem:s9+$0x70] =	vst v6;
	s9 =	smov.u32 s15  }
0xc1: {  	s15 =	sadd.s32 $0x200, s15;
	v10 =	vmax.f32 v10, $0.0e+00;
	v6 =	vld [tilespmem:s9+$0xF0]  }
0xc2: {  	_ =	sdelay $0x2  }
0xc3: {  	v3 =	vadd.f32 v9, v3  }
0xc4: {  	v4 =	vadd.f32 v7, v4  }
0xc5: {  	[tilespmem:s9+$0xE0] =	vst v10;
	v5 =	vadd.f32 v8, v5;
	v3 =	vmax.f32 v3, $0.0e+00  }
0xc6: {  	v7 =	vld [tilespmem:s14+$0xF0];
	v4 =	vmax.f32 v4, $0.0e+00;
	[tilespmem:s9+$0xFFFFFF60] =	vst v3  }
0xc7: {  	[tilespmem:s9+$0xFFFFFFE0] =	vst v4;
	v3 =	vmax.f32 v5, $0.0e+00;
	v4 =	vld [tilespmem:s14+$0xFFFFFF70]  }
0xc8: {  	[tilespmem:s9+$0x60] =	vst v3;
	v3 =	vld [tilespmem:s14+$0xFFFFFFF0]  }
0xc9: {  	v5 =	vld [tilespmem:s14+$0x70];
	_ =	sdelay $0x1  }
0xca: {  	v6 =	vadd.f32 v7, v6  }
0xcb: {  	v2 =	vadd.f32 v4, v2  }
0xcc: {  	v4 =	vmax.f32 v6, $0.0e+00;
	v1 =	vadd.f32 v3, v1  }
0xcd: {  	[tilespmem:s9+$0xF0] =	vst v4;
	v0 =	vadd.f32 v5, v0;
	v2 =	vmax.f32 v2, $0.0e+00  }
0xce: {  	v1 =	vmax.f32 v1, $0.0e+00;
	[tilespmem:s9+$0xFFFFFF70] =	vst v2  }
0xcf: {  	[tilespmem:s9+$0xFFFFFFF0] =	vst v1;
	v0 =	vmax.f32 v0, $0.0e+00  }
0xd0: {  	[tilespmem:s9+$0x70] =	vst v0  }
0xd1: {  	v0 =	vld [tilespmem:$0x100]  }
0xd2: {  	v1 =	vld [tilespmem:$0x110]  }
0xd3: {  	v2 =	vld [tilespmem:$0x120]  }
0xd4: {  	v3 =	vld [tilespmem:$0x130]  }
0xd5: {  	v4 =	vld [tilespmem:$0x140]  }
0xd6: {  	[tilespmem:$0xA400] =	vst v0  }
0xd7: {  	[tilespmem:$0xA410] =	vst v1  }
0xd8: {  	s7 =	sadd.s32 s16, s10;
	[tilespmem:$0xA420] =	vst v2  }
0xd9: {  	s7 =	sshll.u32 s7, $0x6;
	[tilespmem:$0xA430] =	vst v3  }
0xda: {  	s7 =	sand.u32 $0x1FFFFFC0, s7;
	[tilespmem:$0xA440] =	vst v4  }
0xdb: {  	[spmem:s3] =	stream.indirect.scatter.add.f32 [tilespmem:s20], [sflag:$0x7], $0x80, s30, s19, $0xb8;
	[tilespmem:$0x1E300] =	vst v63  }
0xdc: {  	s7 =	sadd.s32 s5, s7  }
0xdd: {  	[tilespmem:s4], [sflag:$0x1] =	stream.linear.gather [hbm4b:s7+s4], $0x180, $0x38;
	[tilespmem:$0x1E300] =	vst v63  }
0xde: {  	_ =	swait.ge [sflag:s31], $0x2800  }
0xdf: {  	[sflag:s31] =	ssyncset.done $0x0  }
0xe0: {  	[sflag:s31] =	ssyncadd.s32 $0xFFFFD800  }
0xe1: {  	_ =	swait.ge [sflag:s2], $0x2800  }
0xe2: {  	[sflag:s2] =	ssyncset.done $0x0  }
0xe3: {  	[sflag:s2] =	ssyncadd.s32 $0xFFFFD800  }
0xe4: {  	_ =	swait.ge [sflag:s6], $0x2800  }
0xe5: {  	[sflag:s6] =	ssyncset.done $0x0  }
0xe6: {  	[sflag:s6] =	ssyncadd.s32 $0xFFFFD800  }
0xe7: {  	_ =	swait.ge [sflag:s18], $0x180  }
0xe8: {  	[sflag:s18] =	ssyncset.done $0x0  }
0xe9: {  	[sflag:s18] =	ssyncadd.s32 $0xFFFFFE80  }
0xea: {  	[tilespmem:s20], [sflag:$0x3] =	stream.indirect.gather [hbm4b:s0+s19], $0x80, s4, s19, $0xb8;
	[tilespmem:$0x1E300] =	vst v63  }
0xeb: {  	s9 =	simm.s32 $0x2D00  }
0xec: {  	[tilespmem:s22], [sflag:$0x5] =	stream.indirect.gather [hbm4b:s1+s19], $0x80, s21, s19, $0xb8;
	[tilespmem:$0x1E300] =	vst v63  }
0xed: {  	s14 =	simm.s32 $0x7D00;
	v0 =	vld [tilespmem:s9+$0x80]  }
0xee: {  	v1 =	vld [tilespmem:s14+$0x80]  }
0xef: {  	v2 =	vld [tilespmem:s14+$0xFFFFFF00]  }
0xf0: {  	v3 =	vld [tilespmem:s9+$0xFFFFFF80]  }
0xf1: {  	v4 =	vld [tilespmem:s14+$0xFFFFFF80]  }
0xf2: {  	v5 =	vld [tilespmem:s14+$0x0]  }
0xf3: {  	v0 =	vadd.f32 v1, v0;
	v1 =	vld [tilespmem:s9+$0x0]  }
0xf4: {  	v6 =	vld [tilespmem:s9+$0xFFFFFF00]  }
0xf5: {  	v0 =	vmax.f32 v0, $0.0e+00  }
0xf6: {  	v3 =	vadd.f32 v4, v3;
	[tilespmem:s9+$0x80] =	vst v0;
	v0 =	vld [tilespmem:s9+$0x90]  }
0xf7: {  	v7 =	vld [tilespmem:s14+$0x90]  }
0xf8: {  	v8 =	vld [tilespmem:s9+$0xFFFFFF90];
	v3 =	vmax.f32 v3, $0.0e+00;
	v1 =	vadd.f32 v5, v1  }
0xf9: {  	v4 =	vld [tilespmem:s9+$0xFFFFFF10];
	v2 =	vadd.f32 v2, v6;
	[tilespmem:s9+$0xFFFFFF80] =	vst v3  }
0xfa: {  	v5 =	vld [tilespmem:s14+$0xFFFFFF90];
	v1 =	vmax.f32 v1, $0.0e+00  }
0xfb: {  	v2 =	vmax.f32 v2, $0.0e+00;
	v3 =	vld [tilespmem:s9+$0x10];
	[tilespmem:s9+$0x0] =	vst v1  }
0xfc: {  	[tilespmem:s9+$0xFFFFFF00] =	vst v2;
	v0 =	vadd.f32 v7, v0;
	v1 =	vld [tilespmem:s14+$0x10]  }
0xfd: {  	v2 =	vld [tilespmem:s14+$0xFFFFFF10]  }
0xfe: {  	v0 =	vmax.f32 v0, $0.0e+00  }
0xff: {  	v5 =	vadd.f32 v5, v8;
	[tilespmem:s9+$0x90] =	vst v0;
	v0 =	vld [tilespmem:s9+$0xA0]  }
0x100: {  	v7 =	vld [tilespmem:s14+$0xA0]  }
0x101: {  	v6 =	vld [tilespmem:s9+$0xFFFFFF20];
	v5 =	vmax.f32 v5, $0.0e+00;
	v1 =	vadd.f32 v1, v3  }
0x102: {  	v2 =	vadd.f32 v2, v4;
	v8 =	vld [tilespmem:s9+$0xFFFFFFA0];
	[tilespmem:s9+$0xFFFFFF90] =	vst v5  }
0x103: {  	v4 =	vld [tilespmem:s14+$0xFFFFFFA0];
	v1 =	vmax.f32 v1, $0.0e+00  }
0x104: {  	v2 =	vmax.f32 v2, $0.0e+00;
	v3 =	vld [tilespmem:s9+$0x20];
	[tilespmem:s9+$0x10] =	vst v1  }
0x105: {  	[tilespmem:s9+$0xFFFFFF10] =	vst v2;
	v0 =	vadd.f32 v7, v0;
	v1 =	vld [tilespmem:s14+$0x20]  }
0x106: {  	v2 =	vld [tilespmem:s14+$0xFFFFFF20]  }
0x107: {  	v0 =	vmax.f32 v0, $0.0e+00  }
0x108: {  	v4 =	vadd.f32 v4, v8;
	[tilespmem:s9+$0xA0] =	vst v0;
	v0 =	vld [tilespmem:s9+$0xB0]  }
0x109: {  	v7 =	vld [tilespmem:s14+$0xB0]  }
0x10a: {  	v9 =	vld [tilespmem:s9+$0x30];
	v4 =	vmax.f32 v4, $0.0e+00;
	v1 =	vadd.f32 v1, v3  }
0x10b: {  	v2 =	vadd.f32 v2, v6;
	v8 =	vld [tilespmem:s9+$0xFFFFFFB0];
	[tilespmem:s9+$0xFFFFFFA0] =	vst v4  }
0x10c: {  	v3 =	vld [tilespmem:s14+$0xFFFFFFB0];
	v1 =	vmax.f32 v1, $0.0e+00  }
0x10d: {  	v5 =	vld [tilespmem:s9+$0xFFFFFF30];
	[tilespmem:s9+$0x20] =	vst v1;
	v1 =	vmax.f32 v2, $0.0e+00  }
0x10e: {  	v0 =	vadd.f32 v7, v0;
	[tilespmem:s9+$0xFFFFFF20] =	vst v1;
	v1 =	vld [tilespmem:s14+$0x30]  }
0x10f: {  	v6 =	vld [tilespmem:s14+$0xFFFFFF30]  }
0x110: {  	v10 =	vld [tilespmem:s9+$0xFFFFFF40];
	v0 =	vmax.f32 v0, $0.0e+00  }
0x111: {  	v3 =	vadd.f32 v3, v8;
	[tilespmem:s9+$0xB0] =	vst v0;
	v0 =	vld [tilespmem:s9+$0xC0]  }
0x112: {  	v7 =	vld [tilespmem:s14+$0xC0]  }
0x113: {  	v11 =	vld [tilespmem:s9+$0xFFFFFFD0];
	v3 =	vmax.f32 v3, $0.0e+00;
	v1 =	vadd.f32 v1, v9  }
0x114: {  	v4 =	vld [tilespmem:s9+$0xFFFFFFC0];
	[tilespmem:s9+$0xFFFFFFB0] =	vst v3;
	v5 =	vadd.f32 v6, v5  }
0x115: {  	v6 =	vld [tilespmem:s14+$0xFFFFFFC0];
	v1 =	vmax.f32 v1, $0.0e+00  }
0x116: {  	v2 =	vld [tilespmem:s9+$0x40];
	[tilespmem:s9+$0x30] =	vst v1;
	v1 =	vmax.f32 v5, $0.0e+00  }
0x117: {  	v0 =	vadd.f32 v7, v0;
	v5 =	vld [tilespmem:s14+$0x40];
	[tilespmem:s9+$0xFFFFFF30] =	vst v1  }
0x118: {  	v1 =	vld [tilespmem:s14+$0xFFFFFF40]  }
0x119: {  	v8 =	vld [tilespmem:s9+$0xFFFFFF50];
	v0 =	vmax.f32 v0, $0.0e+00  }
0x11a: {  	[tilespmem:s9+$0xC0] =	vst v0;
	v0 =	vadd.f32 v6, v4;
	v6 =	vld [tilespmem:s9+$0xD0]  }
0x11b: {  	v7 =	vld [tilespmem:s14+$0xD0]  }
0x11c: {  	v3 =	vld [tilespmem:s9+$0xFFFFFF60];
	v0 =	vmax.f32 v0, $0.0e+00;
	v2 =	vadd.f32 v5, v2  }
0x11d: {  	v9 =	vld [tilespmem:s9+$0x50];
	[tilespmem:s9+$0xFFFFFFC0] =	vst v0;
	v0 =	vadd.f32 v1, v10  }
0x11e: {  	v1 =	vld [tilespmem:s14+$0xFFFFFFD0];
	v2 =	vmax.f32 v2, $0.0e+00  }
0x11f: {  	v4 =	vld [tilespmem:s9+$0xFFFFFFE0];
	[tilespmem:s9+$0x40] =	vst v2;
	v0 =	vmax.f32 v0, $0.0e+00  }
0x120: {  	v2 =	vld [tilespmem:s14+$0x50];
	v6 =	vadd.f32 v7, v6;
	[tilespmem:s9+$0xFFFFFF40] =	vst v0  }
0x121: {  	v0 =	vld [tilespmem:s14+$0xFFFFFF50]  }
0x122: {  	v5 =	vld [tilespmem:s9+$0x60];
	v6 =	vmax.f32 v6, $0.0e+00  }
0x123: {  	v1 =	vadd.f32 v1, v11;
	[tilespmem:s9+$0xD0] =	vst v6;
	v6 =	vld [tilespmem:s9+$0xE0]  }
0x124: {  	v10 =	vld [tilespmem:s14+$0xE0]  }
0x125: {  	v1 =	vmax.f32 v1, $0.0e+00;
	v7 =	vadd.f32 v2, v9;
	v2 =	vld [tilespmem:s9+$0xFFFFFF70]  }
0x126: {  	[tilespmem:s9+$0xFFFFFFD0] =	vst v1;
	v0 =	vadd.f32 v0, v8;
	v1 =	vld [tilespmem:s9+$0xFFFFFFF0]  }
0x127: {  	v8 =	vmax.f32 v7, $0.0e+00;
	v7 =	vld [tilespmem:s14+$0xFFFFFFE0]  }
0x128: {  	[tilespmem:s9+$0x50] =	vst v8;
	v8 =	vmax.f32 v0, $0.0e+00;
	v0 =	vld [tilespmem:s9+$0x70]  }
0x129: {  	[tilespmem:s9+$0xFFFFFF50] =	vst v8;
	v8 =	vld [tilespmem:s14+$0x60];
	v6 =	vadd.f32 v10, v6  }
0x12a: {  	v9 =	vld [tilespmem:s14+$0xFFFFFF60]  }
0x12b: {  	s15 =	simm.s32 $0x2F00;
	s12 =	simm.s32 $0x7D00;
	s7 =	simm.s32 $0x0;
	v10 =	vmax.f32 v6, $0.0e+00;
	v6 =	vld [tilespmem:s9+$0xF0]  }
.LBB2_5:
0x12c: {  	v11 =	vld [tilespmem:s15+$0x80];
	v4 =	vadd.f32 v7, v4;
	[tilespmem:s9+$0xE0] =	vst v10  }
0x12d: {  	s12 =	sadd.s32 $0x200, s12;
	v7 =	vld [tilespmem:s14+$0xF0]  }
0x12e: {  	s7 =	sadd.s32 $0x4, s7;
	v10 =	vld [tilespmem:s12+$0x80];
	v4 =	vmax.f32 v4, $0.0e+00;
	v5 =	vadd.f32 v8, v5  }
0x12f: {  	p1 =	slt.u32 s7, $0x4C;
	v8 =	vld [tilespmem:s12+$0xFFFFFF00];
	v3 =	vadd.f32 v9, v3;
	[tilespmem:s9+$0xFFFFFFE0] =	vst v4  }
0x130: {  	v4 =	vld [tilespmem:s15+$0xFFFFFF80];
	v5 =	vmax.f32 v5, $0.0e+00  }
0x131: {  	v9 =	vld [tilespmem:s12+$0xFFFFFF80];
	v3 =	vmax.f32 v3, $0.0e+00;
	[tilespmem:s9+$0x60] =	vst v5  }
0x132: {  	v5 =	vld [tilespmem:s15+$0x0];
	[tilespmem:s9+$0xFFFFFF60] =	vst v3;
	v3 =	vadd.f32 v7, v6  }
0x133: {  	v6 =	vld [tilespmem:s12+$0x0];
	v7 =	vadd.f32 v10, v11  }
0x134: {  	v10 =	vld [tilespmem:s15+$0xFFFFFF00];
	v3 =	vmax.f32 v3, $0.0e+00  }
0x135: {  	v11 =	vld [tilespmem:s15+$0xFFFFFF10];
	v7 =	vmax.f32 v7, $0.0e+00;
	[tilespmem:s9+$0xF0] =	vst v3  }
0x136: {  	v3 =	vadd.f32 v9, v4;
	[tilespmem:s15+$0x80] =	vst v7;
	v4 =	vld [tilespmem:s15+$0x90]  }
0x137: {  	v7 =	vld [tilespmem:s12+$0x90]  }
0x138: {  	v3 =	vmax.f32 v3, $0.0e+00;
	v9 =	vld [tilespmem:s15+$0xFFFFFF90];
	v5 =	vadd.f32 v6, v5  }
0x139: {  	v6 =	vadd.f32 v8, v10;
	[tilespmem:s15+$0xFFFFFF80] =	vst v3;
	v3 =	vld [tilespmem:s15+$0x10]  }
0x13a: {  	v8 =	vld [tilespmem:s12+$0xFFFFFF90];
	v5 =	vmax.f32 v5, $0.0e+00  }
0x13b: {  	v6 =	vmax.f32 v6, $0.0e+00;
	v10 =	vld [tilespmem:s15+$0xFFFFFF20];
	[tilespmem:s15+$0x0] =	vst v5  }
0x13c: {  	[tilespmem:s15+$0xFFFFFF00] =	vst v6;
	v5 =	vld [tilespmem:s12+$0x10];
	v4 =	vadd.f32 v7, v4  }
0x13d: {  	v6 =	vld [tilespmem:s12+$0xFFFFFF10]  }
0x13e: {  	v7 =	vld [tilespmem:s15+$0xFFFFFFA0];
	v4 =	vmax.f32 v4, $0.0e+00  }
0x13f: {  	v8 =	vadd.f32 v8, v9;
	[tilespmem:s15+$0x90] =	vst v4;
	v4 =	vld [tilespmem:s15+$0xA0]  }
0x140: {  	v9 =	vld [tilespmem:s12+$0xA0]  }
0x141: {  	v8 =	vmax.f32 v8, $0.0e+00;
	v3 =	vadd.f32 v5, v3;
	v5 =	vld [tilespmem:s15+$0x20]  }
0x142: {  	v6 =	vadd.f32 v6, v11;
	v11 =	vld [tilespmem:s15+$0xFFFFFF30];
	[tilespmem:s15+$0xFFFFFF90] =	vst v8  }
0x143: {  	v8 =	vld [tilespmem:s12+$0xFFFFFFA0];
	v3 =	vmax.f32 v3, $0.0e+00  }
0x144: {  	v6 =	vmax.f32 v6, $0.0e+00;
	v12 =	vld [tilespmem:s15+$0xFFFFFFB0];
	[tilespmem:s15+$0x10] =	vst v3  }
0x145: {  	[tilespmem:s15+$0xFFFFFF10] =	vst v6;
	v3 =	vld [tilespmem:s12+$0x20];
	v4 =	vadd.f32 v9, v4  }
0x146: {  	v6 =	vld [tilespmem:s12+$0xFFFFFF20]  }
0x147: {  	v9 =	vld [tilespmem:s15+$0x30];
	v4 =	vmax.f32 v4, $0.0e+00  }
0x148: {  	v7 =	vadd.f32 v8, v7;
	[tilespmem:s15+$0xA0] =	vst v4;
	v4 =	vld [tilespmem:s15+$0xB0]  }
0x149: {  	v8 =	vld [tilespmem:s12+$0xB0]  }
0x14a: {  	v13 =	vld [tilespmem:s15+$0xFFFFFF40];
	v7 =	vmax.f32 v7, $0.0e+00;
	v3 =	vadd.f32 v3, v5  }
0x14b: {  	v5 =	vadd.f32 v6, v10;
	[tilespmem:s15+$0xFFFFFFA0] =	vst v7;
	v6 =	vld [tilespmem:s15+$0xFFFFFFC0]  }
0x14c: {  	v7 =	vld [tilespmem:s12+$0xFFFFFFB0];
	v3 =	vmax.f32 v3, $0.0e+00  }
0x14d: {  	v5 =	vmax.f32 v5, $0.0e+00;
	[tilespmem:s15+$0x20] =	vst v3;
	v10 =	vld [tilespmem:s15+$0x40]  }
0x14e: {  	[tilespmem:s15+$0xFFFFFF20] =	vst v5;
	v3 =	vld [tilespmem:s12+$0x30];
	v4 =	vadd.f32 v8, v4  }
0x14f: {  	v5 =	vld [tilespmem:s12+$0xFFFFFF30]  }
0x150: {  	v8 =	vld [tilespmem:s15+$0xFFFFFF50];
	v4 =	vmax.f32 v4, $0.0e+00  }
0x151: {  	v7 =	vadd.f32 v7, v12;
	[tilespmem:s15+$0xB0] =	vst v4;
	v4 =	vld [tilespmem:s15+$0xC0]  }
0x152: {  	v12 =	vld [tilespmem:s12+$0xC0]  }
0x153: {  	v7 =	vmax.f32 v7, $0.0e+00;
	v14 =	vld [tilespmem:s15+$0xFFFFFFD0];
	v3 =	vadd.f32 v3, v9  }
0x154: {  	v5 =	vadd.f32 v5, v11;
	[tilespmem:s15+$0xFFFFFFB0] =	vst v7;
	v7 =	vld [tilespmem:s15+$0x50]  }
0x155: {  	v9 =	vld [tilespmem:s12+$0xFFFFFFC0];
	v11 =	vmax.f32 v3, $0.0e+00  }
0x156: {  	v5 =	vmax.f32 v5, $0.0e+00;
	v3 =	vld [tilespmem:s15+$0xFFFFFF60];
	[tilespmem:s15+$0x30] =	vst v11  }
0x157: {  	[tilespmem:s15+$0xFFFFFF30] =	vst v5;
	v5 =	vld [tilespmem:s12+$0x40];
	v11 =	vadd.f32 v12, v4  }
0x158: {  	v12 =	vld [tilespmem:s12+$0xFFFFFF40]  }
0x159: {  	v4 =	vld [tilespmem:s15+$0xFFFFFFE0];
	v11 =	vmax.f32 v11, $0.0e+00  }
0x15a: {  	v6 =	vadd.f32 v9, v6;
	[tilespmem:s15+$0xC0] =	vst v11;
	v9 =	vld [tilespmem:s15+$0xD0]  }
0x15b: {  	v11 =	vld [tilespmem:s12+$0xD0]  }
0x15c: {  	v6 =	vmax.f32 v6, $0.0e+00;
	v10 =	vadd.f32 v5, v10;
	v5 =	vld [tilespmem:s15+$0x60]  }
0x15d: {  	v12 =	vadd.f32 v12, v13;
	[tilespmem:s15+$0xFFFFFFC0] =	vst v6;
	v6 =	vld [tilespmem:s14+$0xFFFFFF70]  }
0x15e: {  	v13 =	vld [tilespmem:s12+$0xFFFFFFD0];
	v10 =	vmax.f32 v10, $0.0e+00  }
0x15f: {  	v12 =	vmax.f32 v12, $0.0e+00;
	[tilespmem:s15+$0x40] =	vst v10;
	v10 =	vld [tilespmem:s14+$0xFFFFFFF0]  }
0x160: {  	[tilespmem:s15+$0xFFFFFF40] =	vst v12;
	v12 =	vld [tilespmem:s12+$0x50];
	v9 =	vadd.f32 v11, v9  }
0x161: {  	v11 =	vld [tilespmem:s12+$0xFFFFFF50]  }
0x162: {  	v9 =	vmax.f32 v9, $0.0e+00;
	v2 =	vadd.f32 v6, v2;
	v6 =	vld [tilespmem:s14+$0x70];
	s14 =	smov.u32 s12  }
0x163: {  	v13 =	vadd.f32 v13, v14;
	[tilespmem:s15+$0xD0] =	vst v9;
	v9 =	vld [tilespmem:s15+$0xE0]  }
0x164: {  	v14 =	vld [tilespmem:s12+$0xE0];
	v15 =	vmax.f32 v2, $0.0e+00;
	v10 =	vadd.f32 v10, v1  }
0x165: {  	v2 =	vld [tilespmem:s15+$0xFFFFFF70];
	v1 =	vmax.f32 v13, $0.0e+00;
	v12 =	vadd.f32 v12, v7;
	[tilespmem:s9+$0xFFFFFF70] =	vst v15  }
0x166: {  	v8 =	vadd.f32 v11, v8;
	[tilespmem:s15+$0xFFFFFFD0] =	vst v1;
	v1 =	vld [tilespmem:s15+$0xFFFFFFF0];
	v10 =	vmax.f32 v10, $0.0e+00  }
.Ltmp1:
0x167: {  	v7 =	vld [tilespmem:s12+$0xFFFFFFE0];
	v11 =	vmax.f32 v12, $0.0e+00;
	[tilespmem:s9+$0xFFFFFFF0] =	vst v10;
	v6 =	vadd.f32 v6, v0;
	(pc) =	sbr.rel @p1 .LBB2_5-.Ltmp1, $4  }
0x168: {  	v8 =	vmax.f32 v8, $0.0e+00;
	[tilespmem:s15+$0x50] =	vst v11;
	v0 =	vld [tilespmem:s15+$0x70]  }
0x169: {  	[tilespmem:s15+$0xFFFFFF50] =	vst v8;
	v8 =	vld [tilespmem:s12+$0x60];
	v10 =	vadd.f32 v14, v9;
	v6 =	vmax.f32 v6, $0.0e+00  }
0x16a: {  	v9 =	vld [tilespmem:s12+$0xFFFFFF60];
	[tilespmem:s9+$0x70] =	vst v6;
	s9 =	smov.u32 s15  }
0x16b: {  	s15 =	sadd.s32 $0x200, s15;
	v10 =	vmax.f32 v10, $0.0e+00;
	v6 =	vld [tilespmem:s9+$0xF0]  }
0x16c: {  	_ = 	snop  }
0x16d: {  	v4 =	vadd.f32 v7, v4  }
0x16e: {  	v5 =	vadd.f32 v8, v5  }
0x16f: {  	[tilespmem:s9+$0xE0] =	vst v10;
	v4 =	vmax.f32 v4, $0.0e+00;
	v3 =	vadd.f32 v9, v3  }
0x170: {  	v57 =	vld [tilespmem:s14+$0xF0];
	[tilespmem:s9+$0xFFFFFFE0] =	vst v4;
	v58 =	vmax.f32 v5, $0.0e+00  }
0x171: {  	v60 =	vld [tilespmem:s14+$0xFFFFFFF0];
	v3 =	vmax.f32 v3, $0.0e+00;
	[tilespmem:s9+$0x60] =	vst v58  }
0x172: {  	[tilespmem:s9+$0xFFFFFF60] =	vst v3;
	v61 =	vld [tilespmem:s14+$0x70]  }
0x173: {  	v59 =	vld [tilespmem:s14+$0xFFFFFF70];
	_ =	sdelay $0x1  }
0x174: {  	v6 =	vadd.f32 v57, v6  }
0x175: {  	v1 =	vadd.f32 v60, v1  }
0x176: {  	v62 =	vmax.f32 v6, $0.0e+00;
	v0 =	vadd.f32 v61, v0  }
0x177: {  	[tilespmem:s9+$0xF0] =	vst v62;
	v1 =	vmax.f32 v1, $0.0e+00;
	v2 =	vadd.f32 v59, v2  }
0x178: {  	[tilespmem:s9+$0xFFFFFFF0] =	vst v1;
	v0 =	vmax.f32 v0, $0.0e+00  }
0x179: {  	v2 =	vmax.f32 v2, $0.0e+00;
	[tilespmem:s9+$0x70] =	vst v0  }
0x17a: {  	[tilespmem:s9+$0xFFFFFF70] =	vst v2  }
0x17b: {  	v0 =	vld [tilespmem:$0x300]  }
0x17c: {  	v1 =	vld [tilespmem:$0x310]  }
0x17d: {  	v2 =	vld [tilespmem:$0x320]  }
0x17e: {  	v63 =	vld [tilespmem:$0x330]  }
0x17f: {  	v4 =	vld [tilespmem:$0x340]  }
0x180: {  	p1 =	seq.s32 s13, $0x3D;
	[tilespmem:$0xA480] =	vst v0  }
.Ltmp2:
0x181: {  	[tilespmem:$0xA490] =	vst v1;
	(pc) =	sbr.rel @p1 .LBB2_8-.Ltmp2, $4  }
0x182: {  	[tilespmem:$0xA4A0] =	vst v2  }
0x183: {  	[tilespmem:$0xA4B0] =	vst v63  }
0x184: {  	[tilespmem:$0xA4C0] =	vst v4  }
0x185: {  	[spmem:s3] =	stream.indirect.scatter.add.f32 [tilespmem:s24], [sflag:$0x8], $0x80, s8, s19, $0xb8;
	[tilespmem:$0x1E300] =	vst v63  }
.Ltmp3:
0x186: {  	s7 =	sadd.s32 s16, s11;
	(pc) =	sbr.rel .LBB2_2-.Ltmp3, $4  }
0x187: {  	s7 =	sshll.u32 s7, $0x6  }
0x188: {  	s7 =	sand.u32 $0x1FFFFFC0, s7  }
0x189: {  	s13 =	sadd.s32 $0x1, s13;
	s7 =	sadd.s32 s5, s7  }
0x18a: {  	[tilespmem:s17], [sflag:$0x2] =	stream.linear.gather [hbm4b:s7+s4], $0x180, $0x38;
	[tilespmem:$0x1E300] =	vst v63  }
.LBB2_8:
0x18b: {  	s7 =	simm.s32 $0x8  }
0x18c: {  	_ =	swait.ge [sflag:s7], $0x2800  }
0x18d: {  	[sflag:s7] =	ssyncset.done $0x0  }
0x18e: {  	[sflag:s7] =	ssyncadd.s32 $0xFFFFD800  }
0x18f: {  	_ =	swait.ge [sflag:s28], $0x2800  }
0x190: {  	[sflag:s28] =	ssyncset.done $0x0  }
0x191: {  	[sflag:s28] =	ssyncadd.s32 $0xFFFFD800  }
0x192: {  	_ =	swait.ge [sflag:s29], $0x2800  }
0x193: {  	[sflag:s29] =	ssyncset.done $0x0  }
0x194: {  	s9 =	simm.s32 $0x500;
	[sflag:s29] =	ssyncadd.s32 $0xFFFFD800  }
0x195: {  	s13 =	simm.s32 $0x5500;
	v0 =	vld [tilespmem:s9+$0x80]  }
0x196: {  	v1 =	vld [tilespmem:s13+$0x80]  }
0x197: {  	v2 =	vld [tilespmem:s13+$0xFFFFFF00]  }
0x198: {  	v3 =	vld [tilespmem:s9+$0xFFFFFF80]  }
0x199: {  	v4 =	vld [tilespmem:s13+$0xFFFFFF80]  }
0x19a: {  	v5 =	vld [tilespmem:s13+$0x0]  }
0x19b: {  	v0 =	vadd.f32 v1, v0;
	v1 =	vld [tilespmem:s9+$0x0]  }
0x19c: {  	v6 =	vld [tilespmem:s9+$0xFFFFFF00]  }
0x19d: {  	v0 =	vmax.f32 v0, $0.0e+00  }
0x19e: {  	v3 =	vadd.f32 v4, v3;
	[tilespmem:s9+$0x80] =	vst v0;
	v0 =	vld [tilespmem:s9+$0x90]  }
0x19f: {  	v7 =	vld [tilespmem:s13+$0x90]  }
0x1a0: {  	v8 =	vld [tilespmem:s9+$0xFFFFFF90];
	v3 =	vmax.f32 v3, $0.0e+00;
	v1 =	vadd.f32 v5, v1  }
0x1a1: {  	v4 =	vld [tilespmem:s9+$0xFFFFFF10];
	v2 =	vadd.f32 v2, v6;
	[tilespmem:s9+$0xFFFFFF80] =	vst v3  }
0x1a2: {  	v5 =	vld [tilespmem:s13+$0xFFFFFF90];
	v1 =	vmax.f32 v1, $0.0e+00  }
0x1a3: {  	v2 =	vmax.f32 v2, $0.0e+00;
	v3 =	vld [tilespmem:s9+$0x10];
	[tilespmem:s9+$0x0] =	vst v1  }
0x1a4: {  	[tilespmem:s9+$0xFFFFFF00] =	vst v2;
	v0 =	vadd.f32 v7, v0;
	v1 =	vld [tilespmem:s13+$0x10]  }
0x1a5: {  	v2 =	vld [tilespmem:s13+$0xFFFFFF10]  }
0x1a6: {  	v0 =	vmax.f32 v0, $0.0e+00  }
0x1a7: {  	v5 =	vadd.f32 v5, v8;
	[tilespmem:s9+$0x90] =	vst v0;
	v0 =	vld [tilespmem:s9+$0xA0]  }
0x1a8: {  	v7 =	vld [tilespmem:s13+$0xA0]  }
0x1a9: {  	v6 =	vld [tilespmem:s9+$0xFFFFFF20];
	v5 =	vmax.f32 v5, $0.0e+00;
	v1 =	vadd.f32 v1, v3  }
0x1aa: {  	v2 =	vadd.f32 v2, v4;
	v8 =	vld [tilespmem:s9+$0xFFFFFFA0];
	[tilespmem:s9+$0xFFFFFF90] =	vst v5  }
0x1ab: {  	v4 =	vld [tilespmem:s13+$0xFFFFFFA0];
	v1 =	vmax.f32 v1, $0.0e+00  }
0x1ac: {  	v2 =	vmax.f32 v2, $0.0e+00;
	v3 =	vld [tilespmem:s9+$0x20];
	[tilespmem:s9+$0x10] =	vst v1  }
0x1ad: {  	[tilespmem:s9+$0xFFFFFF10] =	vst v2;
	v0 =	vadd.f32 v7, v0;
	v1 =	vld [tilespmem:s13+$0x20]  }
0x1ae: {  	v2 =	vld [tilespmem:s13+$0xFFFFFF20]  }
0x1af: {  	v0 =	vmax.f32 v0, $0.0e+00  }
0x1b0: {  	v4 =	vadd.f32 v4, v8;
	[tilespmem:s9+$0xA0] =	vst v0;
	v0 =	vld [tilespmem:s9+$0xB0]  }
0x1b1: {  	v7 =	vld [tilespmem:s13+$0xB0]  }
0x1b2: {  	v9 =	vld [tilespmem:s9+$0x30];
	v4 =	vmax.f32 v4, $0.0e+00;
	v1 =	vadd.f32 v1, v3  }
0x1b3: {  	v2 =	vadd.f32 v2, v6;
	v8 =	vld [tilespmem:s9+$0xFFFFFFB0];
	[tilespmem:s9+$0xFFFFFFA0] =	vst v4  }
0x1b4: {  	v3 =	vld [tilespmem:s13+$0xFFFFFFB0];
	v1 =	vmax.f32 v1, $0.0e+00  }
0x1b5: {  	v5 =	vld [tilespmem:s9+$0xFFFFFF30];
	[tilespmem:s9+$0x20] =	vst v1;
	v1 =	vmax.f32 v2, $0.0e+00  }
0x1b6: {  	v0 =	vadd.f32 v7, v0;
	[tilespmem:s9+$0xFFFFFF20] =	vst v1;
	v1 =	vld [tilespmem:s13+$0x30]  }
0x1b7: {  	v6 =	vld [tilespmem:s13+$0xFFFFFF30]  }
0x1b8: {  	v10 =	vld [tilespmem:s9+$0xFFFFFF40];
	v0 =	vmax.f32 v0, $0.0e+00  }
0x1b9: {  	v3 =	vadd.f32 v3, v8;
	[tilespmem:s9+$0xB0] =	vst v0;
	v0 =	vld [tilespmem:s9+$0xC0]  }
0x1ba: {  	v7 =	vld [tilespmem:s13+$0xC0]  }
0x1bb: {  	v11 =	vld [tilespmem:s9+$0xFFFFFFD0];
	v3 =	vmax.f32 v3, $0.0e+00;
	v1 =	vadd.f32 v1, v9  }
0x1bc: {  	v4 =	vld [tilespmem:s9+$0xFFFFFFC0];
	[tilespmem:s9+$0xFFFFFFB0] =	vst v3;
	v5 =	vadd.f32 v6, v5  }
0x1bd: {  	v6 =	vld [tilespmem:s13+$0xFFFFFFC0];
	v1 =	vmax.f32 v1, $0.0e+00  }
0x1be: {  	v2 =	vld [tilespmem:s9+$0x40];
	[tilespmem:s9+$0x30] =	vst v1;
	v1 =	vmax.f32 v5, $0.0e+00  }
0x1bf: {  	v0 =	vadd.f32 v7, v0;
	v5 =	vld [tilespmem:s13+$0x40];
	[tilespmem:s9+$0xFFFFFF30] =	vst v1  }
0x1c0: {  	v1 =	vld [tilespmem:s13+$0xFFFFFF40]  }
0x1c1: {  	v8 =	vld [tilespmem:s9+$0xFFFFFF50];
	v0 =	vmax.f32 v0, $0.0e+00  }
0x1c2: {  	[tilespmem:s9+$0xC0] =	vst v0;
	v0 =	vadd.f32 v6, v4;
	v6 =	vld [tilespmem:s9+$0xD0]  }
0x1c3: {  	v7 =	vld [tilespmem:s13+$0xD0]  }
0x1c4: {  	v3 =	vld [tilespmem:s9+$0xFFFFFF60];
	v0 =	vmax.f32 v0, $0.0e+00;
	v2 =	vadd.f32 v5, v2  }
0x1c5: {  	v9 =	vld [tilespmem:s9+$0x50];
	[tilespmem:s9+$0xFFFFFFC0] =	vst v0;
	v0 =	vadd.f32 v1, v10  }
0x1c6: {  	v1 =	vld [tilespmem:s13+$0xFFFFFFD0];
	v2 =	vmax.f32 v2, $0.0e+00  }
0x1c7: {  	v4 =	vld [tilespmem:s9+$0xFFFFFFE0];
	[tilespmem:s9+$0x40] =	vst v2;
	v0 =	vmax.f32 v0, $0.0e+00  }
0x1c8: {  	v2 =	vld [tilespmem:s13+$0x50];
	v6 =	vadd.f32 v7, v6;
	[tilespmem:s9+$0xFFFFFF40] =	vst v0  }
0x1c9: {  	v0 =	vld [tilespmem:s13+$0xFFFFFF50]  }
0x1ca: {  	v5 =	vld [tilespmem:s9+$0x60];
	v6 =	vmax.f32 v6, $0.0e+00  }
0x1cb: {  	v1 =	vadd.f32 v1, v11;
	[tilespmem:s9+$0xD0] =	vst v6;
	v6 =	vld [tilespmem:s9+$0xE0]  }
0x1cc: {  	v10 =	vld [tilespmem:s13+$0xE0]  }
0x1cd: {  	v1 =	vmax.f32 v1, $0.0e+00;
	v7 =	vadd.f32 v2, v9;
	v2 =	vld [tilespmem:s9+$0xFFFFFF70]  }
0x1ce: {  	[tilespmem:s9+$0xFFFFFFD0] =	vst v1;
	v0 =	vadd.f32 v0, v8;
	v1 =	vld [tilespmem:s9+$0xFFFFFFF0]  }
0x1cf: {  	v8 =	vmax.f32 v7, $0.0e+00;
	v7 =	vld [tilespmem:s13+$0xFFFFFFE0]  }
0x1d0: {  	[tilespmem:s9+$0x50] =	vst v8;
	v8 =	vmax.f32 v0, $0.0e+00;
	v0 =	vld [tilespmem:s9+$0x70]  }
0x1d1: {  	[tilespmem:s9+$0xFFFFFF50] =	vst v8;
	v8 =	vld [tilespmem:s13+$0x60];
	v6 =	vadd.f32 v10, v6  }
0x1d2: {  	v9 =	vld [tilespmem:s13+$0xFFFFFF60]  }
0x1d3: {  	s14 =	simm.s32 $0x700;
	s12 =	simm.s32 $0x5500;
	s7 =	simm.s32 $0x0;
	v10 =	vmax.f32 v6, $0.0e+00;
	v6 =	vld [tilespmem:s9+$0xF0]  }
.LBB2_9:
0x1d4: {  	v11 =	vld [tilespmem:s14+$0x80];
	v4 =	vadd.f32 v7, v4;
	[tilespmem:s9+$0xE0] =	vst v10  }
0x1d5: {  	s12 =	sadd.s32 $0x200, s12;
	v7 =	vld [tilespmem:s13+$0xF0]  }
0x1d6: {  	s7 =	sadd.s32 $0x4, s7;
	v10 =	vld [tilespmem:s12+$0x80];
	v4 =	vmax.f32 v4, $0.0e+00;
	v5 =	vadd.f32 v8, v5  }
0x1d7: {  	p1 =	slt.u32 s7, $0x4C;
	v8 =	vld [tilespmem:s12+$0xFFFFFF00];
	v3 =	vadd.f32 v9, v3;
	[tilespmem:s9+$0xFFFFFFE0] =	vst v4  }
0x1d8: {  	v4 =	vld [tilespmem:s14+$0xFFFFFF80];
	v5 =	vmax.f32 v5, $0.0e+00  }
0x1d9: {  	v9 =	vld [tilespmem:s12+$0xFFFFFF80];
	v3 =	vmax.f32 v3, $0.0e+00;
	[tilespmem:s9+$0x60] =	vst v5  }
0x1da: {  	v5 =	vld [tilespmem:s14+$0x0];
	[tilespmem:s9+$0xFFFFFF60] =	vst v3;
	v3 =	vadd.f32 v7, v6  }
0x1db: {  	v6 =	vld [tilespmem:s12+$0x0];
	v7 =	vadd.f32 v10, v11  }
0x1dc: {  	v10 =	vld [tilespmem:s14+$0xFFFFFF00];
	v3 =	vmax.f32 v3, $0.0e+00  }
0x1dd: {  	v11 =	vld [tilespmem:s14+$0xFFFFFF10];
	v7 =	vmax.f32 v7, $0.0e+00;
	[tilespmem:s9+$0xF0] =	vst v3  }
0x1de: {  	v3 =	vadd.f32 v9, v4;
	[tilespmem:s14+$0x80] =	vst v7;
	v4 =	vld [tilespmem:s14+$0x90]  }
0x1df: {  	v7 =	vld [tilespmem:s12+$0x90]  }
0x1e0: {  	v3 =	vmax.f32 v3, $0.0e+00;
	v9 =	vld [tilespmem:s14+$0xFFFFFF90];
	v5 =	vadd.f32 v6, v5  }
0x1e1: {  	v6 =	vadd.f32 v8, v10;
	[tilespmem:s14+$0xFFFFFF80] =	vst v3;
	v3 =	vld [tilespmem:s14+$0x10]  }
0x1e2: {  	v8 =	vld [tilespmem:s12+$0xFFFFFF90];
	v5 =	vmax.f32 v5, $0.0e+00  }
0x1e3: {  	v6 =	vmax.f32 v6, $0.0e+00;
	v10 =	vld [tilespmem:s14+$0xFFFFFF20];
	[tilespmem:s14+$0x0] =	vst v5  }
0x1e4: {  	[tilespmem:s14+$0xFFFFFF00] =	vst v6;
	v5 =	vld [tilespmem:s12+$0x10];
	v4 =	vadd.f32 v7, v4  }
0x1e5: {  	v6 =	vld [tilespmem:s12+$0xFFFFFF10]  }
0x1e6: {  	v7 =	vld [tilespmem:s14+$0xFFFFFFA0];
	v4 =	vmax.f32 v4, $0.0e+00  }
0x1e7: {  	v8 =	vadd.f32 v8, v9;
	[tilespmem:s14+$0x90] =	vst v4;
	v4 =	vld [tilespmem:s14+$0xA0]  }
0x1e8: {  	v9 =	vld [tilespmem:s12+$0xA0]  }
0x1e9: {  	v8 =	vmax.f32 v8, $0.0e+00;
	v3 =	vadd.f32 v5, v3;
	v5 =	vld [tilespmem:s14+$0x20]  }
0x1ea: {  	v6 =	vadd.f32 v6, v11;
	v11 =	vld [tilespmem:s14+$0xFFFFFF30];
	[tilespmem:s14+$0xFFFFFF90] =	vst v8  }
0x1eb: {  	v8 =	vld [tilespmem:s12+$0xFFFFFFA0];
	v3 =	vmax.f32 v3, $0.0e+00  }
0x1ec: {  	v6 =	vmax.f32 v6, $0.0e+00;
	v12 =	vld [tilespmem:s14+$0xFFFFFFB0];
	[tilespmem:s14+$0x10] =	vst v3  }
0x1ed: {  	[tilespmem:s14+$0xFFFFFF10] =	vst v6;
	v3 =	vld [tilespmem:s12+$0x20];
	v4 =	vadd.f32 v9, v4  }
0x1ee: {  	v6 =	vld [tilespmem:s12+$0xFFFFFF20]  }
0x1ef: {  	v9 =	vld [tilespmem:s14+$0x30];
	v4 =	vmax.f32 v4, $0.0e+00  }
0x1f0: {  	v7 =	vadd.f32 v8, v7;
	[tilespmem:s14+$0xA0] =	vst v4;
	v4 =	vld [tilespmem:s14+$0xB0]  }
0x1f1: {  	v8 =	vld [tilespmem:s12+$0xB0]  }
0x1f2: {  	v13 =	vld [tilespmem:s14+$0xFFFFFF40];
	v7 =	vmax.f32 v7, $0.0e+00;
	v3 =	vadd.f32 v3, v5  }
0x1f3: {  	v5 =	vadd.f32 v6, v10;
	[tilespmem:s14+$0xFFFFFFA0] =	vst v7;
	v6 =	vld [tilespmem:s14+$0xFFFFFFC0]  }
0x1f4: {  	v7 =	vld [tilespmem:s12+$0xFFFFFFB0];
	v3 =	vmax.f32 v3, $0.0e+00  }
0x1f5: {  	v5 =	vmax.f32 v5, $0.0e+00;
	[tilespmem:s14+$0x20] =	vst v3;
	v10 =	vld [tilespmem:s14+$0x40]  }
0x1f6: {  	[tilespmem:s14+$0xFFFFFF20] =	vst v5;
	v3 =	vld [tilespmem:s12+$0x30];
	v4 =	vadd.f32 v8, v4  }
0x1f7: {  	v5 =	vld [tilespmem:s12+$0xFFFFFF30]  }
0x1f8: {  	v8 =	vld [tilespmem:s14+$0xFFFFFF50];
	v4 =	vmax.f32 v4, $0.0e+00  }
0x1f9: {  	v7 =	vadd.f32 v7, v12;
	[tilespmem:s14+$0xB0] =	vst v4;
	v4 =	vld [tilespmem:s14+$0xC0]  }
0x1fa: {  	v12 =	vld [tilespmem:s12+$0xC0]  }
0x1fb: {  	v7 =	vmax.f32 v7, $0.0e+00;
	v14 =	vld [tilespmem:s14+$0xFFFFFFD0];
	v3 =	vadd.f32 v3, v9  }
0x1fc: {  	v5 =	vadd.f32 v5, v11;
	[tilespmem:s14+$0xFFFFFFB0] =	vst v7;
	v7 =	vld [tilespmem:s14+$0x50]  }
0x1fd: {  	v9 =	vld [tilespmem:s12+$0xFFFFFFC0];
	v11 =	vmax.f32 v3, $0.0e+00  }
0x1fe: {  	v5 =	vmax.f32 v5, $0.0e+00;
	v3 =	vld [tilespmem:s14+$0xFFFFFF60];
	[tilespmem:s14+$0x30] =	vst v11  }
0x1ff: {  	[tilespmem:s14+$0xFFFFFF30] =	vst v5;
	v5 =	vld [tilespmem:s12+$0x40];
	v11 =	vadd.f32 v12, v4  }
0x200: {  	v12 =	vld [tilespmem:s12+$0xFFFFFF40]  }
0x201: {  	v4 =	vld [tilespmem:s14+$0xFFFFFFE0];
	v11 =	vmax.f32 v11, $0.0e+00  }
0x202: {  	v6 =	vadd.f32 v9, v6;
	[tilespmem:s14+$0xC0] =	vst v11;
	v9 =	vld [tilespmem:s14+$0xD0]  }
0x203: {  	v11 =	vld [tilespmem:s12+$0xD0]  }
0x204: {  	v6 =	vmax.f32 v6, $0.0e+00;
	v10 =	vadd.f32 v5, v10;
	v5 =	vld [tilespmem:s14+$0x60]  }
0x205: {  	v12 =	vadd.f32 v12, v13;
	[tilespmem:s14+$0xFFFFFFC0] =	vst v6;
	v6 =	vld [tilespmem:s13+$0xFFFFFF70]  }
0x206: {  	v13 =	vld [tilespmem:s12+$0xFFFFFFD0];
	v10 =	vmax.f32 v10, $0.0e+00  }
0x207: {  	v12 =	vmax.f32 v12, $0.0e+00;
	[tilespmem:s14+$0x40] =	vst v10;
	v10 =	vld [tilespmem:s13+$0xFFFFFFF0]  }
0x208: {  	[tilespmem:s14+$0xFFFFFF40] =	vst v12;
	v12 =	vld [tilespmem:s12+$0x50];
	v9 =	vadd.f32 v11, v9  }
0x209: {  	v11 =	vld [tilespmem:s12+$0xFFFFFF50]  }
0x20a: {  	v9 =	vmax.f32 v9, $0.0e+00;
	v2 =	vadd.f32 v6, v2;
	v6 =	vld [tilespmem:s13+$0x70];
	s13 =	smov.u32 s12  }
0x20b: {  	v13 =	vadd.f32 v13, v14;
	[tilespmem:s14+$0xD0] =	vst v9;
	v9 =	vld [tilespmem:s14+$0xE0]  }
0x20c: {  	v14 =	vld [tilespmem:s12+$0xE0];
	v15 =	vmax.f32 v2, $0.0e+00;
	v10 =	vadd.f32 v10, v1  }
0x20d: {  	v2 =	vld [tilespmem:s14+$0xFFFFFF70];
	v1 =	vmax.f32 v13, $0.0e+00;
	v12 =	vadd.f32 v12, v7;
	[tilespmem:s9+$0xFFFFFF70] =	vst v15  }
0x20e: {  	v8 =	vadd.f32 v11, v8;
	[tilespmem:s14+$0xFFFFFFD0] =	vst v1;
	v1 =	vld [tilespmem:s14+$0xFFFFFFF0];
	v10 =	vmax.f32 v10, $0.0e+00  }
.Ltmp4:
0x20f: {  	v7 =	vld [tilespmem:s12+$0xFFFFFFE0];
	v11 =	vmax.f32 v12, $0.0e+00;
	[tilespmem:s9+$0xFFFFFFF0] =	vst v10;
	v6 =	vadd.f32 v6, v0;
	(pc) =	sbr.rel @p1 .LBB2_9-.Ltmp4, $4  }
0x210: {  	v8 =	vmax.f32 v8, $0.0e+00;
	[tilespmem:s14+$0x50] =	vst v11;
	v0 =	vld [tilespmem:s14+$0x70]  }
0x211: {  	[tilespmem:s14+$0xFFFFFF50] =	vst v8;
	v8 =	vld [tilespmem:s12+$0x60];
	v10 =	vadd.f32 v14, v9;
	v6 =	vmax.f32 v6, $0.0e+00  }
0x212: {  	v9 =	vld [tilespmem:s12+$0xFFFFFF60];
	[tilespmem:s9+$0x70] =	vst v6;
	s9 =	smov.u32 s14  }
0x213: {  	s14 =	sadd.s32 $0x200, s14;
	v10 =	vmax.f32 v10, $0.0e+00;
	v6 =	vld [tilespmem:s9+$0xF0]  }
0x214: {  	_ = 	snop  }
0x215: {  	v4 =	vadd.f32 v7, v4  }
0x216: {  	v5 =	vadd.f32 v8, v5  }
0x217: {  	[tilespmem:s9+$0xE0] =	vst v10;
	v4 =	vmax.f32 v4, $0.0e+00;
	v3 =	vadd.f32 v9, v3  }
0x218: {  	v57 =	vld [tilespmem:s13+$0xF0];
	[tilespmem:s9+$0xFFFFFFE0] =	vst v4;
	v58 =	vmax.f32 v5, $0.0e+00  }
0x219: {  	v60 =	vld [tilespmem:s13+$0xFFFFFFF0];
	v3 =	vmax.f32 v3, $0.0e+00;
	[tilespmem:s9+$0x60] =	vst v58  }
0x21a: {  	[tilespmem:s9+$0xFFFFFF60] =	vst v3;
	v61 =	vld [tilespmem:s13+$0x70]  }
0x21b: {  	v59 =	vld [tilespmem:s13+$0xFFFFFF70];
	_ =	sdelay $0x1  }
0x21c: {  	v6 =	vadd.f32 v57, v6  }
0x21d: {  	v1 =	vadd.f32 v60, v1  }
0x21e: {  	v62 =	vmax.f32 v6, $0.0e+00;
	v0 =	vadd.f32 v61, v0  }
0x21f: {  	[tilespmem:s9+$0xF0] =	vst v62;
	v1 =	vmax.f32 v1, $0.0e+00;
	v2 =	vadd.f32 v59, v2  }
0x220: {  	[tilespmem:s9+$0xFFFFFFF0] =	vst v1;
	v0 =	vmax.f32 v0, $0.0e+00  }
0x221: {  	v2 =	vmax.f32 v2, $0.0e+00;
	[tilespmem:s9+$0x70] =	vst v0  }
0x222: {  	[tilespmem:s9+$0xFFFFFF70] =	vst v2  }
0x223: {  	v0 =	vld [tilespmem:$0x100]  }
0x224: {  	v1 =	vld [tilespmem:$0x110]  }
0x225: {  	v2 =	vld [tilespmem:$0x120]  }
0x226: {  	v63 =	vld [tilespmem:$0x130]  }
0x227: {  	v4 =	vld [tilespmem:$0x140]  }
0x228: {  	[tilespmem:$0xA400] =	vst v0  }
0x229: {  	[tilespmem:$0xA410] =	vst v1  }
0x22a: {  	[tilespmem:$0xA420] =	vst v2  }
0x22b: {  	[tilespmem:$0xA430] =	vst v63  }
0x22c: {  	[tilespmem:$0xA440] =	vst v4  }
0x22d: {  	[spmem:s3] =	stream.indirect.scatter.add.f32 [tilespmem:s20], [sflag:$0x7], $0x80, s30, s19, $0xb8;
	[tilespmem:$0x1E300] =	vst v63  }
0x22e: {  	_ =	swait.ge [sflag:s6], $0x2800  }
0x22f: {  	[sflag:s6] =	ssyncset.done $0x0  }
0x230: {  	[sflag:s6] =	ssyncadd.s32 $0xFFFFD800  }
0x231: {  	[bflag:$0x0] =	sbarrier.arrive $0xFFFF  }
0x232: {  	s13 =	rddreg [dreg:$0x7]  }
0x233: {  	s7 =	rddreg [dreg:$0xa]  }
0x234: {  	s12 =	simm.s32 $0x9;
	s9 =	rddreg [dreg:$0xc]  }
0x235: {  	[hbm:s7], [sflag:s13] =	dma.local [spmem:s9], $0x2780  }
0x236: {  	_ =	swait.ge [sflag:s12], $0x2780  }
0x237: {  	s14 =	rddreg [dreg:$0xe]  }
0x238: {  	s16 =	rddreg [dreg:$0xb];
	s14 =	sadd.s32 $0x1, s14  }
0x239: {  	p1 =	sne.s32 s14, s16  }
.Ltmp5:
0x23a: {  	_ = 	snop;
	(pc) =	sbr.rel @p1 .LBB2_1-.Ltmp5, $3  }
0x23b: {  	_ =	sdelay $0x1  }
0x23c: {  	[sflag:s12] =	ssyncset.done $0x0  }
0x23d: {  	[sflag:s12] =	ssyncadd.s32 $0xFFFFD880  }
0x23e: {  	_ =	sfence.sel $0x180000  }
0x23f: {  	[bflag:$0x0] =	sbarrier.arrive $0xFFFF  }
0x240: {  	_ =	strace $0x90000047  }
0x241: {  	[bflag:$0x2] =	sbarrier.arrive $0xFFFF  }
0x242: {  	s0 =	rddreg [dreg:$0x5]  }
0x243: {  	s0 =	sadd.s32 @!p0 $0x100000, s0  }
0x244: {  	[sflag:s0] =	ssyncadd.tile.s32 @!p0 $0x1;
	_ =	shalt  }
.Lfunc_end2:
_tile_overlayer_lowered:
.L_overlay_start_2:
0x245: {  	(tag) =	ssettag $0x2  }
0x246: {  	s0 =	rddreg [dreg:$0x0];
	s2 =	stileid.u32  }
0x247: {  	s1 =	rddreg [dreg:$0x1];
	p0 =	sne.s32 s2, $0x0  }
0x248: {  	s3 =	rddreg [dreg:$0x2];
	[bflag:$0x3] =	sbarrier.arrive $0xFFFF;
	s2 =	simm.s32 @!p0 $0x1C09  }
0x249: {  	[timem:s3], [sflag:s2] =	dma.local @!p0 [hbm:s0], s1  }
0x24a: {  	s0 =	simm.s32 @!p0 $0x9  }
0x24b: {  	_ =	swait.ge @!p0 [sflag:s0], s1  }
0x24c: {  	s1 =	ssub.s32 @!p0 $0x0, s1;
	[sflag:s0] =	ssyncset.done @!p0 $0x0  }
0x24d: {  	[sflag:s0] =	ssyncadd.s32 @!p0 s1  }
0x24e: {  	[bflag:$0x3] =	sbarrier.arrive $0xFFFF  }
0x24f: {  	_ =	shalt  }

</sc_bundles>
